<compile_context>
chip_gen: v7x
topology: tpu7x:2x2x1
jax: 0.10.2.dev20260603
libtpu: 0.0.44.dev20260713+nightly
codegen_flags: <defaults>
</compile_context>

<pallas_src>
import functools

import jax
import jax.numpy as jnp
from jax import lax
from jax.experimental import pallas as pl
from jax.experimental.pallas import tpu as pltpu
from jax.experimental.pallas import tpu_sc as plsc

_N = 2048
_K = 64
_L = 16
_NS = 16
_CHUNK = _N // _NS


def _scores_body(src_ref, w1t_ref, b1_ref, w2t_ref, b2_ref, wst_ref, out_ref):
    def score(a):
        h1 = jnp.maximum(jnp.dot(w1t_ref[...], a) + b1_ref[...], 0.0)
        h2 = jnp.maximum(jnp.dot(w2t_ref[...], h1) + b2_ref[...], 0.0)
        return jnp.dot(wst_ref[...], h2)

    out_ref[...] = score(src_ref[0]) + score(src_ref[1])


def _rev(x):
    return lax.rev(x, (0,))


def _minmax(ak, av, bk, bv):
    m = ak >= bk
    return (jnp.where(m, ak, bk), jnp.where(m, av, bv),
            jnp.where(m, bk, ak), jnp.where(m, bv, av))


def _vsort(k, v):
    return plsc.sort_key_val(k, v, descending=True)


def _merge16(ak, av, bk, bv):
    rbk, rbv = _rev(bk), _rev(bv)
    hk, hv, lk, lv = _minmax(ak, av, rbk, rbv)
    hk, hv = _vsort(hk, hv)
    lk, lv = _vsort(lk, lv)
    return [hk, lk], [hv, lv]


def _sort_bitonic4(xk, xv):
    a0k, a0v, a2k, a2v = _minmax(xk[0], xv[0], xk[2], xv[2])
    a1k, a1v, a3k, a3v = _minmax(xk[1], xv[1], xk[3], xv[3])
    b0k, b0v, b1k, b1v = _minmax(a0k, a0v, a1k, a1v)
    b2k, b2v, b3k, b3v = _minmax(a2k, a2v, a3k, a3v)
    outk, outv = [], []
    for k, v in ((b0k, b0v), (b1k, b1v), (b2k, b2v), (b3k, b3v)):
        sk, sv = _vsort(k, v)
        outk.append(sk)
        outv.append(sv)
    return outk, outv


def _merge32(ak, av, bk, bv):
    xk = [ak[0], ak[1], _rev(bk[1]), _rev(bk[0])]
    xv = [av[0], av[1], _rev(bv[1]), _rev(bv[0])]
    return _sort_bitonic4(xk, xv)


def _merge_trunc64(ck, cv, nk, nv):
    hk, hv = [], []
    for i in range(4):
        rk, rv = _rev(nk[3 - i]), _rev(nv[3 - i])
        k, v, _, _ = _minmax(ck[i], cv[i], rk, rv)
        hk.append(k)
        hv.append(v)
    return _sort_bitonic4(hk, hv)


def _sort_chunk(chunk_ref, base):
    lane = lax.iota(jnp.int32, _L)
    sk, sv = [], []
    for i in range(8):
        k = chunk_ref[pl.ds(i * _L, _L)]
        v = base + (i * _L) + lane
        k, v = _vsort(k, v)
        sk.append(k)
        sv.append(v)
    ak, av = _merge16(sk[0], sv[0], sk[1], sv[1])
    bk, bv = _merge16(sk[2], sv[2], sk[3], sv[3])
    ck, cv = _merge16(sk[4], sv[4], sk[5], sv[5])
    dk, dv = _merge16(sk[6], sv[6], sk[7], sv[7])
    ek, ev = _merge32(ak, av, bk, bv)
    fk, fv = _merge32(ck, cv, dk, dv)
    return _merge_trunc64(ek, ev, fk, fv)


def _sort_phase_body(scores_hbm, keys_hbm, idx_hbm, chunk_v, lkeys_v, lidx_v):
    sid = lax.axis_index("s")
    cid = lax.axis_index("c")

    @pl.when(cid == 0)
    def _():
        pltpu.sync_copy(scores_hbm.at[pl.ds(sid * _CHUNK, _CHUNK)], chunk_v)
        kk, vv = _sort_chunk(chunk_v, sid * _CHUNK)
        for i in range(4):
            lkeys_v[pl.ds(i * _L, _L)] = kk[i]
            lidx_v[pl.ds(i * _L, _L)] = vv[i]
        pltpu.sync_copy(lkeys_v, keys_hbm.at[sid])
        pltpu.sync_copy(lidx_v, idx_hbm.at[sid])


def _merge_phase_body(keys_hbm, idx_hbm, src_hbm, out_hbm,
                      all_keys_v, all_idx_v, src_v, out_v):
    sid = lax.axis_index("s")
    cid = lax.axis_index("c")
    tile0 = jnp.logical_and(sid == 0, cid == 0)

    @pl.when(tile0)
    def _():
        pltpu.sync_copy(keys_hbm, all_keys_v)
        pltpu.sync_copy(idx_hbm, all_idx_v)
        pltpu.sync_copy(src_hbm, src_v)
        ck = [all_keys_v[0, pl.ds(i * _L, _L)] for i in range(4)]
        cv = [all_idx_v[0, pl.ds(i * _L, _L)] for i in range(4)]
        for w in range(1, _NS):
            nk = [all_keys_v[w, pl.ds(i * _L, _L)] for i in range(4)]
            nv = [all_idx_v[w, pl.ds(i * _L, _L)] for i in range(4)]
            ck, cv = _merge_trunc64(ck, cv, nk, nv)

        lane = lax.iota(jnp.int32, _L)
        for b in range(2):
            for c in range(6):
                for q in range(4):
                    vals = plsc.load_gather(
                        src_v, [cv[q] + (b * 6 * _N + c * _N)])
                    plsc.store_scatter(
                        out_v,
                        [(q * _L + lane) * 6 + (b * _K * 6 + c)],
                        vals)
        pltpu.sync_copy(out_v, out_hbm)


def _topk_gather(scores, src_pts):
    mesh = plsc.VectorSubcoreMesh(core_axis_name="c", subcore_axis_name="s")
    params = pltpu.CompilerParams(needs_layout_passes=False)
    keys, idx = functools.partial(
        pl.kernel,
        mesh=mesh,
        compiler_params=params,
        out_type=[
            jax.ShapeDtypeStruct((_NS, _K), jnp.float32),
            jax.ShapeDtypeStruct((_NS, _K), jnp.int32),
        ],
        scratch_types=[
            pltpu.VMEM((_CHUNK,), jnp.float32),
            pltpu.VMEM((_K,), jnp.float32),
            pltpu.VMEM((_K,), jnp.int32),
        ],
    )(_sort_phase_body)(scores)
    out = functools.partial(
        pl.kernel,
        mesh=mesh,
        compiler_params=params,
        out_type=jax.ShapeDtypeStruct((2 * _K * 6,), jnp.float32),
        scratch_types=[
            pltpu.VMEM((_NS, _K), jnp.float32),
            pltpu.VMEM((_NS, _K), jnp.int32),
            pltpu.VMEM((2 * 6 * _N,), jnp.float32),
            pltpu.VMEM((2 * _K * 6,), jnp.float32),
        ],
    )(_merge_phase_body)(keys, idx, src_pts.reshape(2 * 6 * _N))
    return out.reshape(2, _K, 6)


def kernel(src_pts, tgt_pts, W1, b1, W2, b2, Ws, bs):
    del tgt_pts, bs
    scores = pl.pallas_call(
        _scores_body,
        out_shape=jax.ShapeDtypeStruct((1, _N), jnp.float32),
    )(
        src_pts,
        jnp.swapaxes(W1, 0, 1),
        b1[:, None],
        jnp.swapaxes(W2, 0, 1),
        b2[:, None],
        jnp.swapaxes(Ws, 0, 1),
    )
    mesh = plsc.VectorSubcoreMesh(core_axis_name="c", subcore_axis_name="s")
    params = pltpu.CompilerParams(needs_layout_passes=False)
    keys, idx = functools.partial(
        pl.kernel,
        mesh=mesh,
        compiler_params=params,
        out_type=[
            jax.ShapeDtypeStruct((_NS, _K), jnp.float32),
            jax.ShapeDtypeStruct((_NS, _K), jnp.int32),
        ],
        scratch_types=[
            pltpu.VMEM((_CHUNK,), jnp.float32),
            pltpu.VMEM((_K,), jnp.float32),
            pltpu.VMEM((_K,), jnp.int32),
        ],
    )(_sort_phase_body)(scores.reshape(_N))
    return keys

# --- scband reference (transcript-rebuilt; emitter-appended) ---
"""Pipeline reference for scband-deep-vcp-7155415515285 (READ-ONLY COPY).

The authoritative reference and input builder live on the scoring server;
editing this copy changes nothing except your own understanding.
"""

import jax, jax.numpy as jnp
import numpy as np

B = 2
N = 2048
C_IN = 6
D1 = 64
D2 = 128
NUM_KEYPTS = 64
NSAMPLE = 32
RADIUS = 1.0
NUM_CANDIDATES = 552


def square_distance(a, b):
    return jnp.sum(a * a, -1, keepdims=True) - 2.0 * (a @ jnp.swapaxes(b, -1, -2)) + jnp.sum(b * b, -1)[..., None, :]


def feat_extraction(pts, W1, b1, W2, b2):
    x = jnp.swapaxes(pts, 1, 2)
    xyz = x[:, :, :3]
    h = jax.nn.relu(x @ W1 + b1)
    h = jax.nn.relu(h @ W2 + b2)
    return xyz, h


def weighting(feats, Ws, bs):
    scores = jnp.squeeze(feats @ Ws + bs, -1)
    mean_scores = jnp.mean(scores, axis=0)
    _, idx = jax.lax.top_k(mean_scores, NUM_KEYPTS)
    return idx


def sample_and_group(npoint, radius, nsample, xyz, points):
    new_xyz = xyz[:, :npoint, :]
    d = square_distance(new_xyz, xyz)
    neg_d, idx = jax.lax.top_k(-d, nsample)
    dist = -neg_d
    idx = jnp.where(dist > radius * radius, idx[:, :, :1], idx)
    grouped_xyz = jax.vmap(lambda p, i: p[i])(xyz, idx)
    grouped_xyz_norm = grouped_xyz - new_xyz[:, :, None, :]
    grouped_pts = jax.vmap(lambda p, i: p[i])(points, idx)
    new_points = jnp.concatenate([grouped_xyz_norm, grouped_pts], axis=-1)
    return new_xyz, new_points


def sampling_module(candidate_pts, tgt_xyz, tgt_feats):
    Bc, K, C, _ = candidate_pts.shape
    cand = candidate_pts.reshape(Bc, K * C, 3)
    d = square_distance(cand, tgt_xyz)
    nn_idx = jnp.argmin(d, axis=-1)
    grouped = jax.vmap(lambda f, i: f[i])(tgt_feats, nn_idx)
    return grouped.reshape(Bc, K, C, -1)


def setup_inputs(seed: int = 0):
    key = jax.random.key(seed)
    ks = jax.random.split(key, 10)
    src_pts = jax.random.normal(ks[0], (B, C_IN, N), jnp.float32)
    tgt_pts = jax.random.normal(ks[1], (B, C_IN, N), jnp.float32)
    W1 = jax.random.normal(ks[2], (C_IN, D1), jnp.float32) * 0.1
    b1 = jnp.zeros((D1,), jnp.float32)
    W2 = jax.random.normal(ks[3], (D1, D2), jnp.float32) * 0.1
    b2 = jnp.zeros((D2,), jnp.float32)
    Ws = jax.random.normal(ks[4], (D2, 1), jnp.float32) * 0.1
    bs = jnp.zeros((1,), jnp.float32)
    return {"src_pts": src_pts, "tgt_pts": tgt_pts, "W1": W1, "b1": b1, "W2": W2, "b2": b2, "Ws": Ws, "bs": bs}


def reference(src_pts, tgt_pts, W1, b1, W2, b2, Ws, bs):
    src_xyz, src_feats = feat_extraction(src_pts, W1, b1, W2, b2)
    src_idx = weighting(src_feats, Ws, bs)
    src_keypts = jnp.swapaxes(src_pts[:, :, src_idx], 1, 2)
    _sx, _sp = sample_and_group(NUM_KEYPTS, RADIUS, NSAMPLE, src_keypts[:, :, :3], src_keypts[:, :, 3:])
    tgt_xyz = jnp.swapaxes(tgt_pts[:, :3, :], 1, 2)
    _txyz, tgt_feats = feat_extraction(tgt_pts, W1, b1, W2, b2)
    candidate_pts = jax.random.normal(jax.random.key(1), (src_pts.shape[0], src_keypts.shape[1], NUM_CANDIDATES, 3), jnp.float32)
    tgt_grouped = sampling_module(candidate_pts, tgt_xyz, tgt_feats)
    tgt_idx = weighting(tgt_feats, Ws, bs)
    tgt_keypts = jnp.swapaxes(tgt_pts[:, :, tgt_idx], 1, 2)
    _tx, _tp = sample_and_group(NUM_KEYPTS, RADIUS, NSAMPLE, tgt_keypts[:, :, :3], tgt_keypts[:, :, 3:])
    return src_keypts

if __name__ == "__main__":
    import jax
    _d = setup_inputs()
    print(jax.jit(kernel)(*tuple(_d.values())))

</pallas_src>

<mosaic_0001>
#map = affine_map<(d0, d1) -> (0)>
#map1 = affine_map<(d0, d1) -> (0, 0)>
module attributes {stable_mosaic.version = 14 : i64} {
  func.func @_sort_phase_body(%arg0: i32, %arg1: i32, %arg2: memref<2048xf32, #tpu.memory_space<hbm>>, %arg3: memref<16x64xf32, #tpu.memory_space<hbm>>, %arg4: memref<16x64xi32, #tpu.memory_space<hbm>>, %arg5: memref<128xf32, #tpu.memory_space<vmem>>, %arg6: memref<64xf32, #tpu.memory_space<vmem>>, %arg7: memref<64xi32, #tpu.memory_space<vmem>>) attributes {dimension_semantics = [#tpu.dimension_semantics<core_parallel>, #tpu.dimension_semantics<subcore_parallel>], iteration_bounds = array<i64: 2, 16>, scalar_prefetch = 0 : i64, scratch_operands = 3 : i64, tpu.core_type = #tpu.core_type<sc_vector_subcore>, window_params = [{transform_indices = #map}, {transform_indices = #map1}, {transform_indices = #map1}]} {
    %eq3A = arith.constant 0 : i32
    %eq3A_0 = arith.cmpi eq, %arg0, %eq3A : i32
    %convert_element_type3A = arith.extui %eq3A_0 : i1 to i32
    %cond3A = arith.constant 0 : i32
    %cond3A_1 = arith.cmpi ne, %convert_element_type3A, %cond3A : i32
    scf.if %cond3A_1 {
      %mul3A = arith.constant 128 : i32
      %mul3A_2 = arith.muli %arg1, %mul3A : i32
      "tpu.region"() ({
        %run_scoped3A = tpu.sem_alloc : memref<!tpu.dma_semaphore, #tpu.memory_space<semaphore_mem>>
        %dma_start3A = tpu.memref_slice %arg2[%mul3A_2] : memref<2048xf32, #tpu.memory_space<hbm>> -> memref<128xf32, #tpu.memory_space<hbm>>
        %dma_start3A_394 = tpu.memref_slice %arg2[%mul3A_2] : memref<2048xf32, #tpu.memory_space<hbm>> -> memref<128xf32, #tpu.memory_space<hbm>>
        tpu.enqueue_dma source(%dma_start3A_394 : memref<128xf32, #tpu.memory_space<hbm>>) target(%arg5 : memref<128xf32, #tpu.memory_space<vmem>>) target_semaphore(%run_scoped3A : memref<!tpu.dma_semaphore, #tpu.memory_space<semaphore_mem>>)
        %dma_wait3A = tpu.memref_slice %arg2[%mul3A_2] : memref<2048xf32, #tpu.memory_space<hbm>> -> memref<128xf32, #tpu.memory_space<hbm>>
        %dma_wait3A_395 = tpu.memref_slice %arg2[%mul3A_2] : memref<2048xf32, #tpu.memory_space<hbm>> -> memref<128xf32, #tpu.memory_space<hbm>>
        tpu.wait_dma2 semaphore(%run_scoped3A : memref<!tpu.dma_semaphore, #tpu.memory_space<semaphore_mem>>) src(%dma_wait3A_395 : memref<128xf32, #tpu.memory_space<hbm>>) dst(%arg5 : memref<128xf32, #tpu.memory_space<vmem>>)
        tpu.yield
      }) : () -> ()
      %mul3A_3 = arith.constant 128 : i32
      %mul3A_4 = arith.muli %arg1, %mul3A_3 : i32
      %iota3A = tpu.iota {dimensions = array<i32: 0>} : vector<16xi32>
      %get3A = arith.constant 0 : index
      %get3A_5 = tpu.vector_load %arg5[%get3A] {strides = array<i32>} : memref<128xf32, #tpu.memory_space<vmem>>, vector<16xf32>,
      %add3A = arith.constant 0 : i32
      %add3A_6 = arith.addi %mul3A_4, %add3A : i32
      %add3A_7 = vector.broadcast %add3A_6 : i32 to vector<16xi32>
      %add3A_8 = arith.addi %add3A_7, %iota3A : vector<16xi32>
      %masked_sort3A = arith.constant dense<true> : vector<16xi1>
      %masked_sort3A_9, %masked_sort3A_10, %masked_sort3A_11 = tpu.sort %get3A_5, %add3A_8 masked %masked_sort3A {descending = true} : (vector<16xf32>, vector<16xi32>, vector<16xi1>) -> (vector<16xi1>, vector<16xf32>, vector<16xi32>)
      %get3A_12 = arith.constant 16 : index
      %get3A_13 = tpu.vector_load %arg5[%get3A_12] {strides = array<i32>} : memref<128xf32, #tpu.memory_space<vmem>>, vector<16xf32>,
      %add3A_14 = arith.constant 16 : i32
      %add3A_15 = arith.addi %mul3A_4, %add3A_14 : i32
      %add3A_16 = vector.broadcast %add3A_15 : i32 to vector<16xi32>
      %add3A_17 = arith.addi %add3A_16, %iota3A : vector<16xi32>
      %masked_sort3A_18 = arith.constant dense<true> : vector<16xi1>
      %masked_sort3A_19, %masked_sort3A_20, %masked_sort3A_21 = tpu.sort %get3A_13, %add3A_17 masked %masked_sort3A_18 {descending = true} : (vector<16xf32>, vector<16xi32>, vector<16xi1>) -> (vector<16xi1>, vector<16xf32>, vector<16xi32>)
      %get3A_22 = arith.constant 32 : index
      %get3A_23 = tpu.vector_load %arg5[%get3A_22] {strides = array<i32>} : memref<128xf32, #tpu.memory_space<vmem>>, vector<16xf32>,
      %add3A_24 = arith.constant 32 : i32
      %add3A_25 = arith.addi %mul3A_4, %add3A_24 : i32
      %add3A_26 = vector.broadcast %add3A_25 : i32 to vector<16xi32>
      %add3A_27 = arith.addi %add3A_26, %iota3A : vector<16xi32>
      %masked_sort3A_28 = arith.constant dense<true> : vector<16xi1>
      %masked_sort3A_29, %masked_sort3A_30, %masked_sort3A_31 = tpu.sort %get3A_23, %add3A_27 masked %masked_sort3A_28 {descending = true} : (vector<16xf32>, vector<16xi32>, vector<16xi1>) -> (vector<16xi1>, vector<16xf32>, vector<16xi32>)
      %get3A_32 = arith.constant 48 : index
      %get3A_33 = tpu.vector_load %arg5[%get3A_32] {strides = array<i32>} : memref<128xf32, #tpu.memory_space<vmem>>, vector<16xf32>,
      %add3A_34 = arith.constant 48 : i32
      %add3A_35 = arith.addi %mul3A_4, %add3A_34 : i32
      %add3A_36 = vector.broadcast %add3A_35 : i32 to vector<16xi32>
      %add3A_37 = arith.addi %add3A_36, %iota3A : vector<16xi32>
      %masked_sort3A_38 = arith.constant dense<true> : vector<16xi1>
      %masked_sort3A_39, %masked_sort3A_40, %masked_sort3A_41 = tpu.sort %get3A_33, %add3A_37 masked %masked_sort3A_38 {descending = true} : (vector<16xf32>, vector<16xi32>, vector<16xi1>) -> (vector<16xi1>, vector<16xf32>, vector<16xi32>)
      %get3A_42 = arith.constant 64 : index
      %get3A_43 = tpu.vector_load %arg5[%get3A_42] {strides = array<i32>} : memref<128xf32, #tpu.memory_space<vmem>>, vector<16xf32>,
      %add3A_44 = arith.constant 64 : i32
      %add3A_45 = arith.addi %mul3A_4, %add3A_44 : i32
      %add3A_46 = vector.broadcast %add3A_45 : i32 to vector<16xi32>
      %add3A_47 = arith.addi %add3A_46, %iota3A : vector<16xi32>
      %masked_sort3A_48 = arith.constant dense<true> : vector<16xi1>
      %masked_sort3A_49, %masked_sort3A_50, %masked_sort3A_51 = tpu.sort %get3A_43, %add3A_47 masked %masked_sort3A_48 {descending = true} : (vector<16xf32>, vector<16xi32>, vector<16xi1>) -> (vector<16xi1>, vector<16xf32>, vector<16xi32>)
      %get3A_52 = arith.constant 80 : index
      %get3A_53 = tpu.vector_load %arg5[%get3A_52] {strides = array<i32>} : memref<128xf32, #tpu.memory_space<vmem>>, vector<16xf32>,
      %add3A_54 = arith.constant 80 : i32
      %add3A_55 = arith.addi %mul3A_4, %add3A_54 : i32
      %add3A_56 = vector.broadcast %add3A_55 : i32 to vector<16xi32>
      %add3A_57 = arith.addi %add3A_56, %iota3A : vector<16xi32>
      %masked_sort3A_58 = arith.constant dense<true> : vector<16xi1>
      %masked_sort3A_59, %masked_sort3A_60, %masked_sort3A_61 = tpu.sort %get3A_53, %add3A_57 masked %masked_sort3A_58 {descending = true} : (vector<16xf32>, vector<16xi32>, vector<16xi1>) -> (vector<16xi1>, vector<16xf32>, vector<16xi32>)
      %get3A_62 = arith.constant 96 : index
      %get3A_63 = tpu.vector_load %arg5[%get3A_62] {strides = array<i32>} : memref<128xf32, #tpu.memory_space<vmem>>, vector<16xf32>,
      %add3A_64 = arith.constant 96 : i32
      %add3A_65 = arith.addi %mul3A_4, %add3A_64 : i32
      %add3A_66 = vector.broadcast %add3A_65 : i32 to vector<16xi32>
      %add3A_67 = arith.addi %add3A_66, %iota3A : vector<16xi32>
      %masked_sort3A_68 = arith.constant dense<true> : vector<16xi1>
      %masked_sort3A_69, %masked_sort3A_70, %masked_sort3A_71 = tpu.sort %get3A_63, %add3A_67 masked %masked_sort3A_68 {descending = true} : (vector<16xf32>, vector<16xi32>, vector<16xi1>) -> (vector<16xi1>, vector<16xf32>, vector<16xi32>)
      %get3A_72 = arith.constant 112 : index
      %get3A_73 = tpu.vector_load %arg5[%get3A_72] {strides = array<i32>} : memref<128xf32, #tpu.memory_space<vmem>>, vector<16xf32>,
      %add3A_74 = arith.constant 112 : i32
      %add3A_75 = arith.addi %mul3A_4, %add3A_74 : i32
      %add3A_76 = vector.broadcast %add3A_75 : i32 to vector<16xi32>
      %add3A_77 = arith.addi %add3A_76, %iota3A : vector<16xi32>
      %masked_sort3A_78 = arith.constant dense<true> : vector<16xi1>
      %masked_sort3A_79, %masked_sort3A_80, %masked_sort3A_81 = tpu.sort %get3A_73, %add3A_77 masked %masked_sort3A_78 {descending = true} : (vector<16xf32>, vector<16xi32>, vector<16xi1>) -> (vector<16xi1>, vector<16xf32>, vector<16xi32>)
      %rev3A = arith.constant 15 : i32
      %rev3A_82 = vector.broadcast %rev3A : i32 to vector<16xi32>
      %rev3A_83 = tpu.iota {dimensions = array<i32: 0>} : vector<16xi32>
      %rev3A_84 = arith.subi %rev3A_82, %rev3A_83 : vector<16xi32>
      %rev3A_85 = tpu.dynamic_gather %masked_sort3A_20[%rev3A_84] in [0] : vector<16xf32>, vector<16xi32> -> vector<16xf32>
      %rev3A_86 = arith.constant 15 : i32
      %rev3A_87 = vector.broadcast %rev3A_86 : i32 to vector<16xi32>
      %rev3A_88 = tpu.iota {dimensions = array<i32: 0>} : vector<16xi32>
      %rev3A_89 = arith.subi %rev3A_87, %rev3A_88 : vector<16xi32>
      %rev3A_90 = tpu.dynamic_gather %masked_sort3A_21[%rev3A_89] in [0] : vector<16xi32>, vector<16xi32> -> vector<16xi32>
      %ge3A = arith.cmpf oge, %masked_sort3A_10, %rev3A_85 : vector<16xf32>
      %select_n3A = arith.select %ge3A, %masked_sort3A_10, %rev3A_85 : vector<16xi1>, vector<16xf32>
      %select_n3A_91 = arith.select %ge3A, %masked_sort3A_11, %rev3A_90 : vector<16xi1>, vector<16xi32>
      %select_n3A_92 = arith.select %ge3A, %rev3A_85, %masked_sort3A_10 : vector<16xi1>, vector<16xf32>
      %select_n3A_93 = arith.select %ge3A, %rev3A_90, %masked_sort3A_11 : vector<16xi1>, vector<16xi32>
      %masked_sort3A_94 = arith.constant dense<true> : vector<16xi1>
      %masked_sort3A_95, %masked_sort3A_96, %masked_sort3A_97 = tpu.sort %select_n3A, %select_n3A_91 masked %masked_sort3A_94 {descending = true} : (vector<16xf32>, vector<16xi32>, vector<16xi1>) -> (vector<16xi1>, vector<16xf32>, vector<16xi32>)
      %masked_sort3A_98 = arith.constant dense<true> : vector<16xi1>
      %masked_sort3A_99, %masked_sort3A_100, %masked_sort3A_101 = tpu.sort %select_n3A_92, %select_n3A_93 masked %masked_sort3A_98 {descending = true} : (vector<16xf32>, vector<16xi32>, vector<16xi1>) -> (vector<16xi1>, vector<16xf32>, vector<16xi32>)
      %rev3A_102 = arith.constant 15 : i32
      %rev3A_103 = vector.broadcast %rev3A_102 : i32 to vector<16xi32>
      %rev3A_104 = tpu.iota {dimensions = array<i32: 0>} : vector<16xi32>
      %rev3A_105 = arith.subi %rev3A_103, %rev3A_104 : vector<16xi32>
      %rev3A_106 = tpu.dynamic_gather %masked_sort3A_40[%rev3A_105] in [0] : vector<16xf32>, vector<16xi32> -> vector<16xf32>
      %rev3A_107 = arith.constant 15 : i32
      %rev3A_108 = vector.broadcast %rev3A_107 : i32 to vector<16xi32>
      %rev3A_109 = tpu.iota {dimensions = array<i32: 0>} : vector<16xi32>
      %rev3A_110 = arith.subi %rev3A_108, %rev3A_109 : vector<16xi32>
      %rev3A_111 = tpu.dynamic_gather %masked_sort3A_41[%rev3A_110] in [0] : vector<16xi32>, vector<16xi32> -> vector<16xi32>
      %ge3A_112 = arith.cmpf oge, %masked_sort3A_30, %rev3A_106 : vector<16xf32>
      %select_n3A_113 = arith.select %ge3A_112, %masked_sort3A_30, %rev3A_106 : vector<16xi1>, vector<16xf32>
      %select_n3A_114 = arith.select %ge3A_112, %masked_sort3A_31, %rev3A_111 : vector<16xi1>, vector<16xi32>
      %select_n3A_115 = arith.select %ge3A_112, %rev3A_106, %masked_sort3A_30 : vector<16xi1>, vector<16xf32>
      %select_n3A_116 = arith.select %ge3A_112, %rev3A_111, %masked_sort3A_31 : vector<16xi1>, vector<16xi32>
      %masked_sort3A_117 = arith.constant dense<true> : vector<16xi1>
      %masked_sort3A_118, %masked_sort3A_119, %masked_sort3A_120 = tpu.sort %select_n3A_113, %select_n3A_114 masked %masked_sort3A_117 {descending = true} : (vector<16xf32>, vector<16xi32>, vector<16xi1>) -> (vector<16xi1>, vector<16xf32>, vector<16xi32>)
      %masked_sort3A_121 = arith.constant dense<true> : vector<16xi1>
      %masked_sort3A_122, %masked_sort3A_123, %masked_sort3A_124 = tpu.sort %select_n3A_115, %select_n3A_116 masked %masked_sort3A_121 {descending = true} : (vector<16xf32>, vector<16xi32>, vector<16xi1>) -> (vector<16xi1>, vector<16xf32>, vector<16xi32>)
      %rev3A_125 = arith.constant 15 : i32
      %rev3A_126 = vector.broadcast %rev3A_125 : i32 to vector<16xi32>
      %rev3A_127 = tpu.iota {dimensions = array<i32: 0>} : vector<16xi32>
      %rev3A_128 = arith.subi %rev3A_126, %rev3A_127 : vector<16xi32>
      %rev3A_129 = tpu.dynamic_gather %masked_sort3A_60[%rev3A_128] in [0] : vector<16xf32>, vector<16xi32> -> vector<16xf32>
      %rev3A_130 = arith.constant 15 : i32
      %rev3A_131 = vector.broadcast %rev3A_130 : i32 to vector<16xi32>
      %rev3A_132 = tpu.iota {dimensions = array<i32: 0>} : vector<16xi32>
      %rev3A_133 = arith.subi %rev3A_131, %rev3A_132 : vector<16xi32>
      %rev3A_134 = tpu.dynamic_gather %masked_sort3A_61[%rev3A_133] in [0] : vector<16xi32>, vector<16xi32> -> vector<16xi32>
      %ge3A_135 = arith.cmpf oge, %masked_sort3A_50, %rev3A_129 : vector<16xf32>
      %select_n3A_136 = arith.select %ge3A_135, %masked_sort3A_50, %rev3A_129 : vector<16xi1>, vector<16xf32>
      %select_n3A_137 = arith.select %ge3A_135, %masked_sort3A_51, %rev3A_134 : vector<16xi1>, vector<16xi32>
      %select_n3A_138 = arith.select %ge3A_135, %rev3A_129, %masked_sort3A_50 : vector<16xi1>, vector<16xf32>
      %select_n3A_139 = arith.select %ge3A_135, %rev3A_134, %masked_sort3A_51 : vector<16xi1>, vector<16xi32>
      %masked_sort3A_140 = arith.constant dense<true> : vector<16xi1>
      %masked_sort3A_141, %masked_sort3A_142, %masked_sort3A_143 = tpu.sort %select_n3A_136, %select_n3A_137 masked %masked_sort3A_140 {descending = true} : (vector<16xf32>, vector<16xi32>, vector<16xi1>) -> (vector<16xi1>, vector<16xf32>, vector<16xi32>)
      %masked_sort3A_144 = arith.constant dense<true> : vector<16xi1>
      %masked_sort3A_145, %masked_sort3A_146, %masked_sort3A_147 = tpu.sort %select_n3A_138, %select_n3A_139 masked %masked_sort3A_144 {descending = true} : (vector<16xf32>, vector<16xi32>, vector<16xi1>) -> (vector<16xi1>, vector<16xf32>, vector<16xi32>)
      %rev3A_148 = arith.constant 15 : i32
      %rev3A_149 = vector.broadcast %rev3A_148 : i32 to vector<16xi32>
      %rev3A_150 = tpu.iota {dimensions = array<i32: 0>} : vector<16xi32>
      %rev3A_151 = arith.subi %rev3A_149, %rev3A_150 : vector<16xi32>
      %rev3A_152 = tpu.dynamic_gather %masked_sort3A_80[%rev3A_151] in [0] : vector<16xf32>, vector<16xi32> -> vector<16xf32>
      %rev3A_153 = arith.constant 15 : i32
      %rev3A_154 = vector.broadcast %rev3A_153 : i32 to vector<16xi32>
      %rev3A_155 = tpu.iota {dimensions = array<i32: 0>} : vector<16xi32>
      %rev3A_156 = arith.subi %rev3A_154, %rev3A_155 : vector<16xi32>
      %rev3A_157 = tpu.dynamic_gather %masked_sort3A_81[%rev3A_156] in [0] : vector<16xi32>, vector<16xi32> -> vector<16xi32>
      %ge3A_158 = arith.cmpf oge, %masked_sort3A_70, %rev3A_152 : vector<16xf32>
      %select_n3A_159 = arith.select %ge3A_158, %masked_sort3A_70, %rev3A_152 : vector<16xi1>, vector<16xf32>
      %select_n3A_160 = arith.select %ge3A_158, %masked_sort3A_71, %rev3A_157 : vector<16xi1>, vector<16xi32>
      %select_n3A_161 = arith.select %ge3A_158, %rev3A_152, %masked_sort3A_70 : vector<16xi1>, vector<16xf32>
      %select_n3A_162 = arith.select %ge3A_158, %rev3A_157, %masked_sort3A_71 : vector<16xi1>, vector<16xi32>
      %masked_sort3A_163 = arith.constant dense<true> : vector<16xi1>
      %masked_sort3A_164, %masked_sort3A_165, %masked_sort3A_166 = tpu.sort %select_n3A_159, %select_n3A_160 masked %masked_sort3A_163 {descending = true} : (vector<16xf32>, vector<16xi32>, vector<16xi1>) -> (vector<16xi1>, vector<16xf32>, vector<16xi32>)
      %masked_sort3A_167 = arith.constant dense<true> : vector<16xi1>
      %masked_sort3A_168, %masked_sort3A_169, %masked_sort3A_170 = tpu.sort %select_n3A_161, %select_n3A_162 masked %masked_sort3A_167 {descending = true} : (vector<16xf32>, vector<16xi32>, vector<16xi1>) -> (vector<16xi1>, vector<16xf32>, vector<16xi32>)
      %rev3A_171 = arith.constant 15 : i32
      %rev3A_172 = vector.broadcast %rev3A_171 : i32 to vector<16xi32>
      %rev3A_173 = tpu.iota {dimensions = array<i32: 0>} : vector<16xi32>
      %rev3A_174 = arith.subi %rev3A_172, %rev3A_173 : vector<16xi32>
      %rev3A_175 = tpu.dynamic_gather %masked_sort3A_123[%rev3A_174] in [0] : vector<16xf32>, vector<16xi32> -> vector<16xf32>
      %rev3A_176 = arith.constant 15 : i32
      %rev3A_177 = vector.broadcast %rev3A_176 : i32 to vector<16xi32>
      %rev3A_178 = tpu.iota {dimensions = array<i32: 0>} : vector<16xi32>
      %rev3A_179 = arith.subi %rev3A_177, %rev3A_178 : vector<16xi32>
      %rev3A_180 = tpu.dynamic_gather %masked_sort3A_119[%rev3A_179] in [0] : vector<16xf32>, vector<16xi32> -> vector<16xf32>
      %rev3A_181 = arith.constant 15 : i32
      %rev3A_182 = vector.broadcast %rev3A_181 : i32 to vector<16xi32>
      %rev3A_183 = tpu.iota {dimensions = array<i32: 0>} : vector<16xi32>
      %rev3A_184 = arith.subi %rev3A_182, %rev3A_183 : vector<16xi32>
      %rev3A_185 = tpu.dynamic_gather %masked_sort3A_124[%rev3A_184] in [0] : vector<16xi32>, vector<16xi32> -> vector<16xi32>
      %rev3A_186 = arith.constant 15 : i32
      %rev3A_187 = vector.broadcast %rev3A_186 : i32 to vector<16xi32>
      %rev3A_188 = tpu.iota {dimensions = array<i32: 0>} : vector<16xi32>
      %rev3A_189 = arith.subi %rev3A_187, %rev3A_188 : vector<16xi32>
      %rev3A_190 = tpu.dynamic_gather %masked_sort3A_120[%rev3A_189] in [0] : vector<16xi32>, vector<16xi32> -> vector<16xi32>
      %ge3A_191 = arith.cmpf oge, %masked_sort3A_96, %rev3A_175 : vector<16xf32>
      %select_n3A_192 = arith.select %ge3A_191, %masked_sort3A_96, %rev3A_175 : vector<16xi1>, vector<16xf32>
      %select_n3A_193 = arith.select %ge3A_191, %masked_sort3A_97, %rev3A_185 : vector<16xi1>, vector<16xi32>
      %select_n3A_194 = arith.select %ge3A_191, %rev3A_175, %masked_sort3A_96 : vector<16xi1>, vector<16xf32>
      %select_n3A_195 = arith.select %ge3A_191, %rev3A_185, %masked_sort3A_97 : vector<16xi1>, vector<16xi32>
      %ge3A_196 = arith.cmpf oge, %masked_sort3A_100, %rev3A_180 : vector<16xf32>
      %select_n3A_197 = arith.select %ge3A_196, %masked_sort3A_100, %rev3A_180 : vector<16xi1>, vector<16xf32>
      %select_n3A_198 = arith.select %ge3A_196, %masked_sort3A_101, %rev3A_190 : vector<16xi1>, vector<16xi32>
      %select_n3A_199 = arith.select %ge3A_196, %rev3A_180, %masked_sort3A_100 : vector<16xi1>, vector<16xf32>
      %select_n3A_200 = arith.select %ge3A_196, %rev3A_190, %masked_sort3A_101 : vector<16xi1>, vector<16xi32>
      %ge3A_201 = arith.cmpf oge, %select_n3A_192, %select_n3A_197 : vector<16xf32>
      %select_n3A_202 = arith.select %ge3A_201, %select_n3A_192, %select_n3A_197 : vector<16xi1>, vector<16xf32>
      %select_n3A_203 = arith.select %ge3A_201, %select_n3A_193, %select_n3A_198 : vector<16xi1>, vector<16xi32>
      %select_n3A_204 = arith.select %ge3A_201, %select_n3A_197, %select_n3A_192 : vector<16xi1>, vector<16xf32>
      %select_n3A_205 = arith.select %ge3A_201, %select_n3A_198, %select_n3A_193 : vector<16xi1>, vector<16xi32>
      %ge3A_206 = arith.cmpf oge, %select_n3A_194, %select_n3A_199 : vector<16xf32>
      %select_n3A_207 = arith.select %ge3A_206, %select_n3A_194, %select_n3A_199 : vector<16xi1>, vector<16xf32>
      %select_n3A_208 = arith.select %ge3A_206, %select_n3A_195, %select_n3A_200 : vector<16xi1>, vector<16xi32>
      %select_n3A_209 = arith.select %ge3A_206, %select_n3A_199, %select_n3A_194 : vector<16xi1>, vector<16xf32>
      %select_n3A_210 = arith.select %ge3A_206, %select_n3A_200, %select_n3A_195 : vector<16xi1>, vector<16xi32>
      %masked_sort3A_211 = arith.constant dense<true> : vector<16xi1>
      %masked_sort3A_212, %masked_sort3A_213, %masked_sort3A_214 = tpu.sort %select_n3A_202, %select_n3A_203 masked %masked_sort3A_211 {descending = true} : (vector<16xf32>, vector<16xi32>, vector<16xi1>) -> (vector<16xi1>, vector<16xf32>, vector<16xi32>)
      %masked_sort3A_215 = arith.constant dense<true> : vector<16xi1>
      %masked_sort3A_216, %masked_sort3A_217, %masked_sort3A_218 = tpu.sort %select_n3A_204, %select_n3A_205 masked %masked_sort3A_215 {descending = true} : (vector<16xf32>, vector<16xi32>, vector<16xi1>) -> (vector<16xi1>, vector<16xf32>, vector<16xi32>)
      %masked_sort3A_219 = arith.constant dense<true> : vector<16xi1>
      %masked_sort3A_220, %masked_sort3A_221, %masked_sort3A_222 = tpu.sort %select_n3A_207, %select_n3A_208 masked %masked_sort3A_219 {descending = true} : (vector<16xf32>, vector<16xi32>, vector<16xi1>) -> (vector<16xi1>, vector<16xf32>, vector<16xi32>)
      %masked_sort3A_223 = arith.constant dense<true> : vector<16xi1>
      %masked_sort3A_224, %masked_sort3A_225, %masked_sort3A_226 = tpu.sort %select_n3A_209, %select_n3A_210 masked %masked_sort3A_223 {descending = true} : (vector<16xf32>, vector<16xi32>, vector<16xi1>) -> (vector<16xi1>, vector<16xf32>, vector<16xi32>)
      %rev3A_227 = arith.constant 15 : i32
      %rev3A_228 = vector.broadcast %rev3A_227 : i32 to vector<16xi32>
      %rev3A_229 = tpu.iota {dimensions = array<i32: 0>} : vector<16xi32>
      %rev3A_230 = arith.subi %rev3A_228, %rev3A_229 : vector<16xi32>
      %rev3A_231 = tpu.dynamic_gather %masked_sort3A_169[%rev3A_230] in [0] : vector<16xf32>, vector<16xi32> -> vector<16xf32>
      %rev3A_232 = arith.constant 15 : i32
      %rev3A_233 = vector.broadcast %rev3A_232 : i32 to vector<16xi32>
      %rev3A_234 = tpu.iota {dimensions = array<i32: 0>} : vector<16xi32>
      %rev3A_235 = arith.subi %rev3A_233, %rev3A_234 : vector<16xi32>
      %rev3A_236 = tpu.dynamic_gather %masked_sort3A_165[%rev3A_235] in [0] : vector<16xf32>, vector<16xi32> -> vector<16xf32>
      %rev3A_237 = arith.constant 15 : i32
      %rev3A_238 = vector.broadcast %rev3A_237 : i32 to vector<16xi32>
      %rev3A_239 = tpu.iota {dimensions = array<i32: 0>} : vector<16xi32>
      %rev3A_240 = arith.subi %rev3A_238, %rev3A_239 : vector<16xi32>
      %rev3A_241 = tpu.dynamic_gather %masked_sort3A_170[%rev3A_240] in [0] : vector<16xi32>, vector<16xi32> -> vector<16xi32>
      %rev3A_242 = arith.constant 15 : i32
      %rev3A_243 = vector.broadcast %rev3A_242 : i32 to vector<16xi32>
      %rev3A_244 = tpu.iota {dimensions = array<i32: 0>} : vector<16xi32>
      %rev3A_245 = arith.subi %rev3A_243, %rev3A_244 : vector<16xi32>
      %rev3A_246 = tpu.dynamic_gather %masked_sort3A_166[%rev3A_245] in [0] : vector<16xi32>, vector<16xi32> -> vector<16xi32>
      %ge3A_247 = arith.cmpf oge, %masked_sort3A_142, %rev3A_231 : vector<16xf32>
      %select_n3A_248 = arith.select %ge3A_247, %masked_sort3A_142, %rev3A_231 : vector<16xi1>, vector<16xf32>
      %select_n3A_249 = arith.select %ge3A_247, %masked_sort3A_143, %rev3A_241 : vector<16xi1>, vector<16xi32>
      %select_n3A_250 = arith.select %ge3A_247, %rev3A_231, %masked_sort3A_142 : vector<16xi1>, vector<16xf32>
      %select_n3A_251 = arith.select %ge3A_247, %rev3A_241, %masked_sort3A_143 : vector<16xi1>, vector<16xi32>
      %ge3A_252 = arith.cmpf oge, %masked_sort3A_146, %rev3A_236 : vector<16xf32>
      %select_n3A_253 = arith.select %ge3A_252, %masked_sort3A_146, %rev3A_236 : vector<16xi1>, vector<16xf32>
      %select_n3A_254 = arith.select %ge3A_252, %masked_sort3A_147, %rev3A_246 : vector<16xi1>, vector<16xi32>
      %select_n3A_255 = arith.select %ge3A_252, %rev3A_236, %masked_sort3A_146 : vector<16xi1>, vector<16xf32>
      %select_n3A_256 = arith.select %ge3A_252, %rev3A_246, %masked_sort3A_147 : vector<16xi1>, vector<16xi32>
      %ge3A_257 = arith.cmpf oge, %select_n3A_248, %select_n3A_253 : vector<16xf32>
      %select_n3A_258 = arith.select %ge3A_257, %select_n3A_248, %select_n3A_253 : vector<16xi1>, vector<16xf32>
      %select_n3A_259 = arith.select %ge3A_257, %select_n3A_249, %select_n3A_254 : vector<16xi1>, vector<16xi32>
      %select_n3A_260 = arith.select %ge3A_257, %select_n3A_253, %select_n3A_248 : vector<16xi1>, vector<16xf32>
      %select_n3A_261 = arith.select %ge3A_257, %select_n3A_254, %select_n3A_249 : vector<16xi1>, vector<16xi32>
      %ge3A_262 = arith.cmpf oge, %select_n3A_250, %select_n3A_255 : vector<16xf32>
      %select_n3A_263 = arith.select %ge3A_262, %select_n3A_250, %select_n3A_255 : vector<16xi1>, vector<16xf32>
      %select_n3A_264 = arith.select %ge3A_262, %select_n3A_251, %select_n3A_256 : vector<16xi1>, vector<16xi32>
      %select_n3A_265 = arith.select %ge3A_262, %select_n3A_255, %select_n3A_250 : vector<16xi1>, vector<16xf32>
      %select_n3A_266 = arith.select %ge3A_262, %select_n3A_256, %select_n3A_251 : vector<16xi1>, vector<16xi32>
      %masked_sort3A_267 = arith.constant dense<true> : vector<16xi1>
      %masked_sort3A_268, %masked_sort3A_269, %masked_sort3A_270 = tpu.sort %select_n3A_258, %select_n3A_259 masked %masked_sort3A_267 {descending = true} : (vector<16xf32>, vector<16xi32>, vector<16xi1>) -> (vector<16xi1>, vector<16xf32>, vector<16xi32>)
      %masked_sort3A_271 = arith.constant dense<true> : vector<16xi1>
      %masked_sort3A_272, %masked_sort3A_273, %masked_sort3A_274 = tpu.sort %select_n3A_260, %select_n3A_261 masked %masked_sort3A_271 {descending = true} : (vector<16xf32>, vector<16xi32>, vector<16xi1>) -> (vector<16xi1>, vector<16xf32>, vector<16xi32>)
      %masked_sort3A_275 = arith.constant dense<true> : vector<16xi1>
      %masked_sort3A_276, %masked_sort3A_277, %masked_sort3A_278 = tpu.sort %select_n3A_263, %select_n3A_264 masked %masked_sort3A_275 {descending = true} : (vector<16xf32>, vector<16xi32>, vector<16xi1>) -> (vector<16xi1>, vector<16xf32>, vector<16xi32>)
      %masked_sort3A_279 = arith.constant dense<true> : vector<16xi1>
      %masked_sort3A_280, %masked_sort3A_281, %masked_sort3A_282 = tpu.sort %select_n3A_265, %select_n3A_266 masked %masked_sort3A_279 {descending = true} : (vector<16xf32>, vector<16xi32>, vector<16xi1>) -> (vector<16xi1>, vector<16xf32>, vector<16xi32>)
      %rev3A_283 = arith.constant 15 : i32
      %rev3A_284 = vector.broadcast %rev3A_283 : i32 to vector<16xi32>
      %rev3A_285 = tpu.iota {dimensions = array<i32: 0>} : vector<16xi32>
      %rev3A_286 = arith.subi %rev3A_284, %rev3A_285 : vector<16xi32>
      %rev3A_287 = tpu.dynamic_gather %masked_sort3A_281[%rev3A_286] in [0] : vector<16xf32>, vector<16xi32> -> vector<16xf32>
      %rev3A_288 = arith.constant 15 : i32
      %rev3A_289 = vector.broadcast %rev3A_288 : i32 to vector<16xi32>
      %rev3A_290 = tpu.iota {dimensions = array<i32: 0>} : vector<16xi32>
      %rev3A_291 = arith.subi %rev3A_289, %rev3A_290 : vector<16xi32>
      %rev3A_292 = tpu.dynamic_gather %masked_sort3A_282[%rev3A_291] in [0] : vector<16xi32>, vector<16xi32> -> vector<16xi32>
      %ge3A_293 = arith.cmpf oge, %masked_sort3A_213, %rev3A_287 : vector<16xf32>
      %select_n3A_294 = arith.select %ge3A_293, %masked_sort3A_213, %rev3A_287 : vector<16xi1>, vector<16xf32>
      %select_n3A_295 = arith.select %ge3A_293, %masked_sort3A_214, %rev3A_292 : vector<16xi1>, vector<16xi32>
      %select_n3A_296 = arith.select %ge3A_293, %rev3A_287, %masked_sort3A_213 : vector<16xi1>, vector<16xf32>
      %select_n3A_297 = arith.select %ge3A_293, %rev3A_292, %masked_sort3A_214 : vector<16xi1>, vector<16xi32>
      %rev3A_298 = arith.constant 15 : i32
      %rev3A_299 = vector.broadcast %rev3A_298 : i32 to vector<16xi32>
      %rev3A_300 = tpu.iota {dimensions = array<i32: 0>} : vector<16xi32>
      %rev3A_301 = arith.subi %rev3A_299, %rev3A_300 : vector<16xi32>
      %rev3A_302 = tpu.dynamic_gather %masked_sort3A_277[%rev3A_301] in [0] : vector<16xf32>, vector<16xi32> -> vector<16xf32>
      %rev3A_303 = arith.constant 15 : i32
      %rev3A_304 = vector.broadcast %rev3A_303 : i32 to vector<16xi32>
      %rev3A_305 = tpu.iota {dimensions = array<i32: 0>} : vector<16xi32>
      %rev3A_306 = arith.subi %rev3A_304, %rev3A_305 : vector<16xi32>
      %rev3A_307 = tpu.dynamic_gather %masked_sort3A_278[%rev3A_306] in [0] : vector<16xi32>, vector<16xi32> -> vector<16xi32>
      %ge3A_308 = arith.cmpf oge, %masked_sort3A_217, %rev3A_302 : vector<16xf32>
      %select_n3A_309 = arith.select %ge3A_308, %masked_sort3A_217, %rev3A_302 : vector<16xi1>, vector<16xf32>
      %select_n3A_310 = arith.select %ge3A_308, %masked_sort3A_218, %rev3A_307 : vector<16xi1>, vector<16xi32>
      %select_n3A_311 = arith.select %ge3A_308, %rev3A_302, %masked_sort3A_217 : vector<16xi1>, vector<16xf32>
      %select_n3A_312 = arith.select %ge3A_308, %rev3A_307, %masked_sort3A_218 : vector<16xi1>, vector<16xi32>
      %rev3A_313 = arith.constant 15 : i32
      %rev3A_314 = vector.broadcast %rev3A_313 : i32 to vector<16xi32>
      %rev3A_315 = tpu.iota {dimensions = array<i32: 0>} : vector<16xi32>
      %rev3A_316 = arith.subi %rev3A_314, %rev3A_315 : vector<16xi32>
      %rev3A_317 = tpu.dynamic_gather %masked_sort3A_273[%rev3A_316] in [0] : vector<16xf32>, vector<16xi32> -> vector<16xf32>
      %rev3A_318 = arith.constant 15 : i32
      %rev3A_319 = vector.broadcast %rev3A_318 : i32 to vector<16xi32>
      %rev3A_320 = tpu.iota {dimensions = array<i32: 0>} : vector<16xi32>
      %rev3A_321 = arith.subi %rev3A_319, %rev3A_320 : vector<16xi32>
      %rev3A_322 = tpu.dynamic_gather %masked_sort3A_274[%rev3A_321] in [0] : vector<16xi32>, vector<16xi32> -> vector<16xi32>
      %ge3A_323 = arith.cmpf oge, %masked_sort3A_221, %rev3A_317 : vector<16xf32>
      %select_n3A_324 = arith.select %ge3A_323, %masked_sort3A_221, %rev3A_317 : vector<16xi1>, vector<16xf32>
      %select_n3A_325 = arith.select %ge3A_323, %masked_sort3A_222, %rev3A_322 : vector<16xi1>, vector<16xi32>
      %select_n3A_326 = arith.select %ge3A_323, %rev3A_317, %masked_sort3A_221 : vector<16xi1>, vector<16xf32>
      %select_n3A_327 = arith.select %ge3A_323, %rev3A_322, %masked_sort3A_222 : vector<16xi1>, vector<16xi32>
      %rev3A_328 = arith.constant 15 : i32
      %rev3A_329 = vector.broadcast %rev3A_328 : i32 to vector<16xi32>
      %rev3A_330 = tpu.iota {dimensions = array<i32: 0>} : vector<16xi32>
      %rev3A_331 = arith.subi %rev3A_329, %rev3A_330 : vector<16xi32>
      %rev3A_332 = tpu.dynamic_gather %masked_sort3A_269[%rev3A_331] in [0] : vector<16xf32>, vector<16xi32> -> vector<16xf32>
      %rev3A_333 = arith.constant 15 : i32
      %rev3A_334 = vector.broadcast %rev3A_333 : i32 to vector<16xi32>
      %rev3A_335 = tpu.iota {dimensions = array<i32: 0>} : vector<16xi32>
      %rev3A_336 = arith.subi %rev3A_334, %rev3A_335 : vector<16xi32>
      %rev3A_337 = tpu.dynamic_gather %masked_sort3A_270[%rev3A_336] in [0] : vector<16xi32>, vector<16xi32> -> vector<16xi32>
      %ge3A_338 = arith.cmpf oge, %masked_sort3A_225, %rev3A_332 : vector<16xf32>
      %select_n3A_339 = arith.select %ge3A_338, %masked_sort3A_225, %rev3A_332 : vector<16xi1>, vector<16xf32>
      %select_n3A_340 = arith.select %ge3A_338, %masked_sort3A_226, %rev3A_337 : vector<16xi1>, vector<16xi32>
      %select_n3A_341 = arith.select %ge3A_338, %rev3A_332, %masked_sort3A_225 : vector<16xi1>, vector<16xf32>
      %select_n3A_342 = arith.select %ge3A_338, %rev3A_337, %masked_sort3A_226 : vector<16xi1>, vector<16xi32>
      %ge3A_343 = arith.cmpf oge, %select_n3A_294, %select_n3A_324 : vector<16xf32>
      %select_n3A_344 = arith.select %ge3A_343, %select_n3A_294, %select_n3A_324 : vector<16xi1>, vector<16xf32>
      %select_n3A_345 = arith.select %ge3A_343, %select_n3A_295, %select_n3A_325 : vector<16xi1>, vector<16xi32>
      %select_n3A_346 = arith.select %ge3A_343, %select_n3A_324, %select_n3A_294 : vector<16xi1>, vector<16xf32>
      %select_n3A_347 = arith.select %ge3A_343, %select_n3A_325, %select_n3A_295 : vector<16xi1>, vector<16xi32>
      %ge3A_348 = arith.cmpf oge, %select_n3A_309, %select_n3A_339 : vector<16xf32>
      %select_n3A_349 = arith.select %ge3A_348, %select_n3A_309, %select_n3A_339 : vector<16xi1>, vector<16xf32>
      %select_n3A_350 = arith.select %ge3A_348, %select_n3A_310, %select_n3A_340 : vector<16xi1>, vector<16xi32>
      %select_n3A_351 = arith.select %ge3A_348, %select_n3A_339, %select_n3A_309 : vector<16xi1>, vector<16xf32>
      %select_n3A_352 = arith.select %ge3A_348, %select_n3A_340, %select_n3A_310 : vector<16xi1>, vector<16xi32>
      %ge3A_353 = arith.cmpf oge, %select_n3A_344, %select_n3A_349 : vector<16xf32>
      %select_n3A_354 = arith.select %ge3A_353, %select_n3A_344, %select_n3A_349 : vector<16xi1>, vector<16xf32>
      %select_n3A_355 = arith.select %ge3A_353, %select_n3A_345, %select_n3A_350 : vector<16xi1>, vector<16xi32>
      %select_n3A_356 = arith.select %ge3A_353, %select_n3A_349, %select_n3A_344 : vector<16xi1>, vector<16xf32>
      %select_n3A_357 = arith.select %ge3A_353, %select_n3A_350, %select_n3A_345 : vector<16xi1>, vector<16xi32>
      %ge3A_358 = arith.cmpf oge, %select_n3A_346, %select_n3A_351 : vector<16xf32>
      %select_n3A_359 = arith.select %ge3A_358, %select_n3A_346, %select_n3A_351 : vector<16xi1>, vector<16xf32>
      %select_n3A_360 = arith.select %ge3A_358, %select_n3A_347, %select_n3A_352 : vector<16xi1>, vector<16xi32>
      %select_n3A_361 = arith.select %ge3A_358, %select_n3A_351, %select_n3A_346 : vector<16xi1>, vector<16xf32>
      %select_n3A_362 = arith.select %ge3A_358, %select_n3A_352, %select_n3A_347 : vector<16xi1>, vector<16xi32>
      %masked_sort3A_363 = arith.constant dense<true> : vector<16xi1>
      %masked_sort3A_364, %masked_sort3A_365, %masked_sort3A_366 = tpu.sort %select_n3A_354, %select_n3A_355 masked %masked_sort3A_363 {descending = true} : (vector<16xf32>, vector<16xi32>, vector<16xi1>) -> (vector<16xi1>, vector<16xf32>, vector<16xi32>)
      %masked_sort3A_367 = arith.constant dense<true> : vector<16xi1>
      %masked_sort3A_368, %masked_sort3A_369, %masked_sort3A_370 = tpu.sort %select_n3A_356, %select_n3A_357 masked %masked_sort3A_367 {descending = true} : (vector<16xf32>, vector<16xi32>, vector<16xi1>) -> (vector<16xi1>, vector<16xf32>, vector<16xi32>)
      %masked_sort3A_371 = arith.constant dense<true> : vector<16xi1>
      %masked_sort3A_372, %masked_sort3A_373, %masked_sort3A_374 = tpu.sort %select_n3A_359, %select_n3A_360 masked %masked_sort3A_371 {descending = true} : (vector<16xf32>, vector<16xi32>, vector<16xi1>) -> (vector<16xi1>, vector<16xf32>, vector<16xi32>)
      %masked_sort3A_375 = arith.constant dense<true> : vector<16xi1>
      %masked_sort3A_376, %masked_sort3A_377, %masked_sort3A_378 = tpu.sort %select_n3A_361, %select_n3A_362 masked %masked_sort3A_375 {descending = true} : (vector<16xf32>, vector<16xi32>, vector<16xi1>) -> (vector<16xi1>, vector<16xf32>, vector<16xi32>)
      %swap3A = arith.constant 0 : index
      %swap3A_379 = tpu.vector_load %arg6[%swap3A] {strides = array<i32>} : memref<64xf32, #tpu.memory_space<vmem>>, vector<16xf32>,
      tpu.vector_store %arg6[%swap3A], %masked_sort3A_365 {strides = array<i32>} : memref<64xf32, #tpu.memory_space<vmem>>, vector<16xf32>,
      %swap3A_380 = arith.constant 0 : index
      %swap3A_381 = tpu.vector_load %arg7[%swap3A_380] {strides = array<i32>} : memref<64xi32, #tpu.memory_space<vmem>>, vector<16xi32>,
      tpu.vector_store %arg7[%swap3A_380], %masked_sort3A_366 {strides = array<i32>} : memref<64xi32, #tpu.memory_space<vmem>>, vector<16xi32>,
      %swap3A_382 = arith.constant 16 : index
      %swap3A_383 = tpu.vector_load %arg6[%swap3A_382] {strides = array<i32>} : memref<64xf32, #tpu.memory_space<vmem>>, vector<16xf32>,
      tpu.vector_store %arg6[%swap3A_382], %masked_sort3A_369 {strides = array<i32>} : memref<64xf32, #tpu.memory_space<vmem>>, vector<16xf32>,
      %swap3A_384 = arith.constant 16 : index
      %swap3A_385 = tpu.vector_load %arg7[%swap3A_384] {strides = array<i32>} : memref<64xi32, #tpu.memory_space<vmem>>, vector<16xi32>,
      tpu.vector_store %arg7[%swap3A_384], %masked_sort3A_370 {strides = array<i32>} : memref<64xi32, #tpu.memory_space<vmem>>, vector<16xi32>,
      %swap3A_386 = arith.constant 32 : index
      %swap3A_387 = tpu.vector_load %arg6[%swap3A_386] {strides = array<i32>} : memref<64xf32, #tpu.memory_space<vmem>>, vector<16xf32>,
      tpu.vector_store %arg6[%swap3A_386], %masked_sort3A_373 {strides = array<i32>} : memref<64xf32, #tpu.memory_space<vmem>>, vector<16xf32>,
      %swap3A_388 = arith.constant 32 : index
      %swap3A_389 = tpu.vector_load %arg7[%swap3A_388] {strides = array<i32>} : memref<64xi32, #tpu.memory_space<vmem>>, vector<16xi32>,
      tpu.vector_store %arg7[%swap3A_388], %masked_sort3A_374 {strides = array<i32>} : memref<64xi32, #tpu.memory_space<vmem>>, vector<16xi32>,
      %swap3A_390 = arith.constant 48 : index
      %swap3A_391 = tpu.vector_load %arg6[%swap3A_390] {strides = array<i32>} : memref<64xf32, #tpu.memory_space<vmem>>, vector<16xf32>,
      tpu.vector_store %arg6[%swap3A_390], %masked_sort3A_377 {strides = array<i32>} : memref<64xf32, #tpu.memory_space<vmem>>, vector<16xf32>,
      %swap3A_392 = arith.constant 48 : index
      %swap3A_393 = tpu.vector_load %arg7[%swap3A_392] {strides = array<i32>} : memref<64xi32, #tpu.memory_space<vmem>>, vector<16xi32>,
      tpu.vector_store %arg7[%swap3A_392], %masked_sort3A_378 {strides = array<i32>} : memref<64xi32, #tpu.memory_space<vmem>>, vector<16xi32>,
      "tpu.region"() ({
        %run_scoped3A = tpu.sem_alloc : memref<!tpu.dma_semaphore, #tpu.memory_space<semaphore_mem>>
        %dma_start3A = arith.constant 0 : i32
        %dma_start3A_394 = tpu.memref_slice %arg3[%arg1, %dma_start3A] : memref<16x64xf32, #tpu.memory_space<hbm>> -> memref<1x64xf32, #tpu.memory_space<hbm>>
        %dma_start3A_395 = tpu.memref_squeeze %dma_start3A_394 : memref<1x64xf32, #tpu.memory_space<hbm>> -> memref<64xf32, #tpu.memory_space<hbm>>
        %dma_start3A_396 = arith.constant 0 : i32
        %dma_start3A_397 = tpu.memref_slice %arg3[%arg1, %dma_start3A_396] : memref<16x64xf32, #tpu.memory_space<hbm>> -> memref<1x64xf32, #tpu.memory_space<hbm>>
        %dma_start3A_398 = tpu.memref_squeeze %dma_start3A_397 : memref<1x64xf32, #tpu.memory_space<hbm>> -> memref<64xf32, #tpu.memory_space<hbm>>
        tpu.enqueue_dma source(%arg6 : memref<64xf32, #tpu.memory_space<vmem>>) target(%dma_start3A_398 : memref<64xf32, #tpu.memory_space<hbm>>) target_semaphore(%run_scoped3A : memref<!tpu.dma_semaphore, #tpu.memory_space<semaphore_mem>>)
        %dma_wait3A = arith.constant 0 : i32
        %dma_wait3A_399 = tpu.memref_slice %arg3[%arg1, %dma_wait3A] : memref<16x64xf32, #tpu.memory_space<hbm>> -> memref<1x64xf32, #tpu.memory_space<hbm>>
        %dma_wait3A_400 = tpu.memref_squeeze %dma_wait3A_399 : memref<1x64xf32, #tpu.memory_space<hbm>> -> memref<64xf32, #tpu.memory_space<hbm>>
        %dma_wait3A_401 = arith.constant 0 : i32
        %dma_wait3A_402 = tpu.memref_slice %arg3[%arg1, %dma_wait3A_401] : memref<16x64xf32, #tpu.memory_space<hbm>> -> memref<1x64xf32, #tpu.memory_space<hbm>>
        %dma_wait3A_403 = tpu.memref_squeeze %dma_wait3A_402 : memref<1x64xf32, #tpu.memory_space<hbm>> -> memref<64xf32, #tpu.memory_space<hbm>>
        tpu.wait_dma2 semaphore(%run_scoped3A : memref<!tpu.dma_semaphore, #tpu.memory_space<semaphore_mem>>) src(%arg6 : memref<64xf32, #tpu.memory_space<vmem>>) dst(%dma_wait3A_403 : memref<64xf32, #tpu.memory_space<hbm>>)
        tpu.yield
      }) : () -> ()
      "tpu.region"() ({
        %run_scoped3A = tpu.sem_alloc : memref<!tpu.dma_semaphore, #tpu.memory_space<semaphore_mem>>
        %dma_start3A = arith.constant 0 : i32
        %dma_start3A_394 = tpu.memref_slice %arg4[%arg1, %dma_start3A] : memref<16x64xi32, #tpu.memory_space<hbm>> -> memref<1x64xi32, #tpu.memory_space<hbm>>
        %dma_start3A_395 = tpu.memref_squeeze %dma_start3A_394 : memref<1x64xi32, #tpu.memory_space<hbm>> -> memref<64xi32, #tpu.memory_space<hbm>>
        %dma_start3A_396 = arith.constant 0 : i32
        %dma_start3A_397 = tpu.memref_slice %arg4[%arg1, %dma_start3A_396] : memref<16x64xi32, #tpu.memory_space<hbm>> -> memref<1x64xi32, #tpu.memory_space<hbm>>
        %dma_start3A_398 = tpu.memref_squeeze %dma_start3A_397 : memref<1x64xi32, #tpu.memory_space<hbm>> -> memref<64xi32, #tpu.memory_space<hbm>>
        tpu.enqueue_dma source(%arg7 : memref<64xi32, #tpu.memory_space<vmem>>) target(%dma_start3A_398 : memref<64xi32, #tpu.memory_space<hbm>>) target_semaphore(%run_scoped3A : memref<!tpu.dma_semaphore, #tpu.memory_space<semaphore_mem>>)
        %dma_wait3A = arith.constant 0 : i32
        %dma_wait3A_399 = tpu.memref_slice %arg4[%arg1, %dma_wait3A] : memref<16x64xi32, #tpu.memory_space<hbm>> -> memref<1x64xi32, #tpu.memory_space<hbm>>
        %dma_wait3A_400 = tpu.memref_squeeze %dma_wait3A_399 : memref<1x64xi32, #tpu.memory_space<hbm>> -> memref<64xi32, #tpu.memory_space<hbm>>
        %dma_wait3A_401 = arith.constant 0 : i32
        %dma_wait3A_402 = tpu.memref_slice %arg4[%arg1, %dma_wait3A_401] : memref<16x64xi32, #tpu.memory_space<hbm>> -> memref<1x64xi32, #tpu.memory_space<hbm>>
        %dma_wait3A_403 = tpu.memref_squeeze %dma_wait3A_402 : memref<1x64xi32, #tpu.memory_space<hbm>> -> memref<64xi32, #tpu.memory_space<hbm>>
        tpu.wait_dma2 semaphore(%run_scoped3A : memref<!tpu.dma_semaphore, #tpu.memory_space<semaphore_mem>>) src(%arg7 : memref<64xi32, #tpu.memory_space<vmem>>) dst(%dma_wait3A_403 : memref<64xi32, #tpu.memory_space<hbm>>)
        tpu.yield
      }) : () -> ()
    } else {
    }
    return
  }
}

module attributes {stable_mosaic.version = 14 : i64} {
  func.func @_scores_body(%arg0: memref<2x6x2048xf32, #tpu.memory_space<vmem>>, %arg1: memref<64x6xf32, #tpu.memory_space<vmem>>, %arg2: memref<64x1xf32, #tpu.memory_space<vmem>>, %arg3: memref<128x64xf32, #tpu.memory_space<vmem>>, %arg4: memref<128x1xf32, #tpu.memory_space<vmem>>, %arg5: memref<1x128xf32, #tpu.memory_space<vmem>>, %arg6: memref<1x2048xf32, #tpu.memory_space<vmem>>) attributes {dimension_semantics = [], scalar_prefetch = 0 : i64, scratch_operands = 0 : i64, tpu.core_type = #tpu.core_type<tc>} {
    %get3A = arith.constant 0 : index
    %get3A_0 = arith.constant 0 : index
    %get3A_1 = arith.constant 0 : index
    %get3A_2 = vector.load %arg0[%get3A, %get3A_0, %get3A_1] : memref<2x6x2048xf32, #tpu.memory_space<vmem>>, vector<1x6x2048xf32>
    %get3A_3 = vector.shape_cast %get3A_2 : vector<1x6x2048xf32> to vector<6x2048xf32>
    %get3A_4 = arith.constant 0 : index
    %get3A_5 = arith.constant 0 : index
    %get3A_6 = vector.load %arg1[%get3A_4, %get3A_5] : memref<64x6xf32, #tpu.memory_space<vmem>>, vector<64x6xf32>
    %dot_general3A = arith.constant dense<0.000000e+00> : vector<64x2048xf32>
    %dot_general3A_7 = tpu.matmul %get3A_6, %get3A_3, %dot_general3A {dimension_numbers = #tpu.dot_dimension_numbers<[1], [0], [0], [1], [0, 0, 1, 1], [], []>, transpose_lhs_hint = false} : vector<64x6xf32>, vector<6x2048xf32>, vector<64x2048xf32> -> vector<64x2048xf32>
    %get3A_8 = arith.constant 0 : index
    %get3A_9 = arith.constant 0 : index
    %get3A_10 = vector.load %arg2[%get3A_8, %get3A_9] : memref<64x1xf32, #tpu.memory_space<vmem>>, vector<64x1xf32>
    %add3A = vector.broadcast %get3A_10 : vector<64x1xf32> to vector<64x2048xf32>
    %add3A_11 = arith.addf %dot_general3A_7, %add3A : vector<64x2048xf32>
    %max3A = arith.constant 0.000000e+00 : f32
    %max3A_12 = vector.broadcast %max3A : f32 to vector<64x2048xf32>
    %max3A_13 = arith.maximumf %add3A_11, %max3A_12 : vector<64x2048xf32>
    %get3A_14 = arith.constant 0 : index
    %get3A_15 = arith.constant 0 : index
    %get3A_16 = vector.load %arg3[%get3A_14, %get3A_15] : memref<128x64xf32, #tpu.memory_space<vmem>>, vector<128x64xf32>
    %dot_general3A_17 = arith.constant dense<0.000000e+00> : vector<128x2048xf32>
    %dot_general3A_18 = tpu.matmul %get3A_16, %max3A_13, %dot_general3A_17 {dimension_numbers = #tpu.dot_dimension_numbers<[1], [0], [0], [1], [0, 0, 1, 1], [], []>, transpose_lhs_hint = false} : vector<128x64xf32>, vector<64x2048xf32>, vector<128x2048xf32> -> vector<128x2048xf32>
    %get3A_19 = arith.constant 0 : index
    %get3A_20 = arith.constant 0 : index
    %get3A_21 = vector.load %arg4[%get3A_19, %get3A_20] : memref<128x1xf32, #tpu.memory_space<vmem>>, vector<128x1xf32>
    %add3A_22 = vector.broadcast %get3A_21 : vector<128x1xf32> to vector<128x2048xf32>
    %add3A_23 = arith.addf %dot_general3A_18, %add3A_22 : vector<128x2048xf32>
    %max3A_24 = arith.constant 0.000000e+00 : f32
    %max3A_25 = vector.broadcast %max3A_24 : f32 to vector<128x2048xf32>
    %max3A_26 = arith.maximumf %add3A_23, %max3A_25 : vector<128x2048xf32>
    %get3A_27 = arith.constant 0 : index
    %get3A_28 = arith.constant 0 : index
    %get3A_29 = vector.load %arg5[%get3A_27, %get3A_28] : memref<1x128xf32, #tpu.memory_space<vmem>>, vector<1x128xf32>
    %dot_general3A_30 = arith.constant dense<0.000000e+00> : vector<1x2048xf32>
    %dot_general3A_31 = tpu.matmul %get3A_29, %max3A_26, %dot_general3A_30 {dimension_numbers = #tpu.dot_dimension_numbers<[1], [0], [0], [1], [0, 0, 1, 1], [], []>, transpose_lhs_hint = false} : vector<1x128xf32>, vector<128x2048xf32>, vector<1x2048xf32> -> vector<1x2048xf32>
    %get3A_32 = arith.constant 1 : index
    %get3A_33 = arith.constant 0 : index
    %get3A_34 = arith.constant 0 : index
    %get3A_35 = vector.load %arg0[%get3A_32, %get3A_33, %get3A_34] : memref<2x6x2048xf32, #tpu.memory_space<vmem>>, vector<1x6x2048xf32>
    %get3A_36 = vector.shape_cast %get3A_35 : vector<1x6x2048xf32> to vector<6x2048xf32>
    %get3A_37 = arith.constant 0 : index
    %get3A_38 = arith.constant 0 : index
    %get3A_39 = vector.load %arg1[%get3A_37, %get3A_38] : memref<64x6xf32, #tpu.memory_space<vmem>>, vector<64x6xf32>
    %dot_general3A_40 = arith.constant dense<0.000000e+00> : vector<64x2048xf32>
    %dot_general3A_41 = tpu.matmul %get3A_39, %get3A_36, %dot_general3A_40 {dimension_numbers = #tpu.dot_dimension_numbers<[1], [0], [0], [1], [0, 0, 1, 1], [], []>, transpose_lhs_hint = false} : vector<64x6xf32>, vector<6x2048xf32>, vector<64x2048xf32> -> vector<64x2048xf32>
    %get3A_42 = arith.constant 0 : index
    %get3A_43 = arith.constant 0 : index
    %get3A_44 = vector.load %arg2[%get3A_42, %get3A_43] : memref<64x1xf32, #tpu.memory_space<vmem>>, vector<64x1xf32>
    %add3A_45 = vector.broadcast %get3A_44 : vector<64x1xf32> to vector<64x2048xf32>
    %add3A_46 = arith.addf %dot_general3A_41, %add3A_45 : vector<64x2048xf32>
    %max3A_47 = arith.constant 0.000000e+00 : f32
    %max3A_48 = vector.broadcast %max3A_47 : f32 to vector<64x2048xf32>
    %max3A_49 = arith.maximumf %add3A_46, %max3A_48 : vector<64x2048xf32>
    %get3A_50 = arith.constant 0 : index
    %get3A_51 = arith.constant 0 : index
    %get3A_52 = vector.load %arg3[%get3A_50, %get3A_51] : memref<128x64xf32, #tpu.memory_space<vmem>>, vector<128x64xf32>
    %dot_general3A_53 = arith.constant dense<0.000000e+00> : vector<128x2048xf32>
    %dot_general3A_54 = tpu.matmul %get3A_52, %max3A_49, %dot_general3A_53 {dimension_numbers = #tpu.dot_dimension_numbers<[1], [0], [0], [1], [0, 0, 1, 1], [], []>, transpose_lhs_hint = false} : vector<128x64xf32>, vector<64x2048xf32>, vector<128x2048xf32> -> vector<128x2048xf32>
    %get3A_55 = arith.constant 0 : index
    %get3A_56 = arith.constant 0 : index
    %get3A_57 = vector.load %arg4[%get3A_55, %get3A_56] : memref<128x1xf32, #tpu.memory_space<vmem>>, vector<128x1xf32>
    %add3A_58 = vector.broadcast %get3A_57 : vector<128x1xf32> to vector<128x2048xf32>
    %add3A_59 = arith.addf %dot_general3A_54, %add3A_58 : vector<128x2048xf32>
    %max3A_60 = arith.constant 0.000000e+00 : f32
    %max3A_61 = vector.broadcast %max3A_60 : f32 to vector<128x2048xf32>
    %max3A_62 = arith.maximumf %add3A_59, %max3A_61 : vector<128x2048xf32>
    %get3A_63 = arith.constant 0 : index
    %get3A_64 = arith.constant 0 : index
    %get3A_65 = vector.load %arg5[%get3A_63, %get3A_64] : memref<1x128xf32, #tpu.memory_space<vmem>>, vector<1x128xf32>
    %dot_general3A_66 = arith.constant dense<0.000000e+00> : vector<1x2048xf32>
    %dot_general3A_67 = tpu.matmul %get3A_65, %max3A_62, %dot_general3A_66 {dimension_numbers = #tpu.dot_dimension_numbers<[1], [0], [0], [1], [0, 0, 1, 1], [], []>, transpose_lhs_hint = false} : vector<1x128xf32>, vector<128x2048xf32>, vector<1x2048xf32> -> vector<1x2048xf32>
    %add3A_68 = arith.addf %dot_general3A_31, %dot_general3A_67 : vector<1x2048xf32>
    %swap3A = arith.constant 0 : index
    %swap3A_69 = arith.constant 0 : index
    %swap3A_70 = vector.load %arg6[%swap3A, %swap3A_69] : memref<1x2048xf32, #tpu.memory_space<vmem>>, vector<1x2048xf32>
    tpu.vector_store %arg6[%swap3A, %swap3A_69], %add3A_68 {strides = array<i32>} : memref<1x2048xf32, #tpu.memory_space<vmem>>, vector<1x2048xf32>,
    return
  }
}

</mosaic_0001>

<sc_bundles>
// kernel: kernel.4.cloned.1.call-start
scs
__scs_entry_jumppad:
0x0: {  	(pc) =	sbr.rel $0x88, $3  }
0x1: {  	(tag) =	ssettag $0x0;
	lr =	simm.s32 $0x1  }
0x2: {  	[smem:$0x3F9B] =	sst lr;
	_ =	strace $0xD0000000  }
0x3: {  	_ = 	snop  }
0x4: {  	_ = 	snop  }
0x5: {  	_ = 	snop  }
0x6: {  	_ = 	snop  }
0x7: {  	_ = 	snop  }
__scs_overlays_trampoline_lowered:
0x8: {  	[smem:$0x3FAA] =	sst s0  }
0x9: {  	[smem:$0x3FAB] =	sst s1  }
0xa: {  	[smem:$0x3FAC] =	sst s2  }
0xb: {  	[smem:$0x3FAD] =	sst s3  }
0xc: {  	[smem:$0x3FAE] =	sst s4  }
0xd: {  	[smem:$0x3FAF] =	sst s5  }
0xe: {  	[smem:$0x3FB0] =	sst s6  }
0xf: {  	[smem:$0x3FB1] =	sst s7  }
0x10: {  	[smem:$0x3FB2] =	sst s8  }
0x11: {  	[smem:$0x3FB3] =	sst s9;
	s0 =	simm.s32 @!p0 $0x0  }
0x12: {  	s1 =	sld [smem:$0x3F99];
	s0 =	simm.s32 @p0 $0x1  }
0x13: {  	[smem:$0x3FB4] =	sst s0;
	s0 =	simm.s32 @!p1 $0x0  }
0x14: {  	s2 =	sld [smem:$0x3F98];
	s0 =	simm.s32 @p1 $0x1  }
0x15: {  	[smem:$0x3FB5] =	sst s0;
	s0 =	simm.s32 @!p2 $0x0  }
0x16: {  	s3 =	sld [smem:$0x3FDB];
	s0 =	simm.s32 @p2 $0x1  }
0x17: {  	s4 =	simm.s32 $0x1BF5;
	[smem:$0x3FB7] =	sst s0  }
0x18: {  	s0 =	sld [smem:$0x3F9A];
	_ =	swait.ge [sflag:s4], $0x0  }
0x19: {  	s7 =	sld [smem:$0x3F9B]  }
0x1a: {  	s8 =	sadd.s32 $0xFFFFE003, lr  }
0x1b: {  	s9 =	sadd.s32 $0xFFFFFEF7, lr;
	s5 =	simm.s32 $0xFFFFFFFF;
	p2 =	slt.u32 s8, $0xFFFFF086  }
0x1c: {  	p1 =	slt.u32 s9, $0xF7A;
	s5 =	simm.s32 @!p2 $0x0  }
0x1d: {  	s5 =	simm.s32 @p1 $0x1;
	p0 =	seq.s32 s7, s2  }
0x1e: {  	s7 =	smul.u32 @!p0 $0xF7A, s2;
	p2 =	seq.s32 @!p0 s5, $0x0  }
0x1f: {  	s9 =	smul.u32 $0xF7A, s1;
	s8 =	simm.s32 @!p0 $0x1BF5;
	p2 =	por !p2, p0  }
0x20: {  	[sflag:s8] =	ssyncset.s32 @!p0 $0xFFFFF086;
	s6 =	sadd.s32 @!p0 s3, s7;
	s7 =	simm.s32 @!p0 $0x108  }
0x21: {  	s3 =	sadd.s32 s3, s9;
	s6 =	sadd.s32 @!p0 $0x88, s6;
	s7 =	simm.s32 @p2 $0x1082  }
0x22: {  	[simem:s7], [sflag:s8] =	dma.local @!p0 [hbm:s6], $0xF7A  }
0x23: {  	s9 =	sor.u32 $0xD0000000, s2;
	s6 =	simm.s32 $0x108;
	_ =	swait.ge @!p0 [sflag:s8], $0x0  }
0x24: {  	s3 =	sadd.s32 $0x88, s3;
	s6 =	simm.s32 @!p1 $0x1082;
	[sflag:s4] =	ssyncset.s32 $0xFFFFF086  }
0x25: {  	[simem:s6], [sflag:s4] =	dma.local [hbm:s3], $0xF7A  }
0x26: {  	[smem:$0x3F9B] =	sst s1;
	(tag) =	ssettag s2;
	_ =	strace s9  }
0x27: {  	s1 =	sld [smem:$0x3FAB]  }
0x28: {  	s2 =	sld [smem:$0x3FAC]  }
0x29: {  	s4 =	sld [smem:$0x3FAE]  }
0x2a: {  	p0 =	seq.s32 s5, $0x0;
	s5 =	sld [smem:$0x3FAF]  }
0x2b: {  	s6 =	sld [smem:$0x3FB0]  }
0x2c: {  	s7 =	sld [smem:$0x3FB1]  }
0x2d: {  	s3 =	simm.s32 $0x108;
	s8 =	sld [smem:$0x3FB2]  }
0x2e: {  	s3 =	simm.s32 @!p0 $0x1082;
	s9 =	sld [smem:$0x3FB3]  }
0x2f: {  	lr =	sadd.s32 s0, s3;
	s0 =	sld [smem:$0x3FAA]  }
0x30: {  	s3 =	sld [smem:$0x3FAD]  }
0x31: {  	[smem:$0x3FB6] =	sst s10  }
0x32: {  	s10 =	sld [smem:$0x3FB4];
	_ =	sdelay $0x3  }
0x33: {  	p0 =	seq.s32 s10, $0x1;
	s10 =	sld [smem:$0x3FB6];
	_ =	sdelay $0x3  }
0x34: {  	[smem:$0x3FB6] =	sst s10  }
0x35: {  	s10 =	sld [smem:$0x3FB5];
	_ =	sdelay $0x3  }
0x36: {  	p1 =	seq.s32 s10, $0x1;
	s10 =	sld [smem:$0x3FB6];
	_ =	sdelay $0x3  }
0x37: {  	[smem:$0x3FB6] =	sst s10  }
0x38: {  	s10 =	sld [smem:$0x3FB7]  }
0x39: {  	_ = 	snop;
	(pc) =	sbr.ind lr, $3  }
0x3a: {  	_ = 	snop  }
0x3b: {  	_ = 	snop  }
0x3c: {  	p2 =	seq.s32 s10, $0x1;
	s10 =	sld [smem:$0x3FB6]  }
0x3d: {  	_ =	shalt  }
0x3e: {  	_ =	shalt  }
0x3f: {  	_ =	shalt  }
0x40: {  	_ =	shalt  }
0x41: {  	_ =	shalt  }
0x42: {  	_ =	shalt  }
0x43: {  	_ =	shalt  }
0x44: {  	_ =	shalt  }
0x45: {  	_ =	shalt  }
0x46: {  	_ =	shalt  }
0x47: {  	_ =	shalt  }
0x48: {  	_ =	shalt  }
0x49: {  	_ =	shalt  }
0x4a: {  	_ =	shalt  }
0x4b: {  	_ =	shalt  }
0x4c: {  	_ =	shalt  }
0x4d: {  	_ =	shalt  }
0x4e: {  	_ =	shalt  }
0x4f: {  	_ =	shalt  }
0x50: {  	_ =	shalt  }
0x51: {  	_ =	shalt  }
0x52: {  	_ =	shalt  }
0x53: {  	_ =	shalt  }
0x54: {  	_ =	shalt  }
0x55: {  	_ =	shalt  }
0x56: {  	_ =	shalt  }
0x57: {  	_ =	shalt  }
0x58: {  	_ =	shalt  }
0x59: {  	_ =	shalt  }
0x5a: {  	_ =	shalt  }
0x5b: {  	_ =	shalt  }
0x5c: {  	_ =	shalt  }
0x5d: {  	_ =	shalt  }
0x5e: {  	_ =	shalt  }
0x5f: {  	_ =	shalt  }
0x60: {  	_ =	shalt  }
0x61: {  	_ =	shalt  }
0x62: {  	_ =	shalt  }
0x63: {  	_ =	shalt  }
0x64: {  	_ =	shalt  }
0x65: {  	_ =	shalt  }
0x66: {  	_ =	shalt  }
0x67: {  	_ =	shalt  }
0x68: {  	_ =	shalt  }
0x69: {  	_ =	shalt  }
0x6a: {  	_ =	shalt  }
0x6b: {  	_ =	shalt  }
0x6c: {  	_ =	shalt  }
0x6d: {  	_ =	shalt  }
0x6e: {  	_ =	shalt  }
0x6f: {  	_ =	shalt  }
0x70: {  	_ =	shalt  }
0x71: {  	_ =	shalt  }
0x72: {  	_ =	shalt  }
0x73: {  	_ =	shalt  }
0x74: {  	_ =	shalt  }
0x75: {  	_ =	shalt  }
0x76: {  	_ =	shalt  }
0x77: {  	_ =	shalt  }
0x78: {  	_ =	shalt  }
0x79: {  	_ =	shalt  }
0x7a: {  	_ =	shalt  }
0x7b: {  	_ =	shalt  }
0x7c: {  	_ =	shalt  }
0x7d: {  	_ =	shalt  }
0x7e: {  	_ =	shalt  }
0x7f: {  	_ =	shalt  }
0x80: {  	_ =	shalt  }
0x81: {  	_ =	shalt  }
0x82: {  	_ =	shalt  }
0x83: {  	_ =	shalt  }
0x84: {  	_ =	shalt  }
0x85: {  	_ =	shalt  }
0x86: {  	_ =	shalt  }
0x87: {  	_ =	shalt  }
.Lfunc_end0:
.L_simem_size_0:
called_computation_lowered:
.L_overlay_start_0:
0x88: {  	s2 =	sld [smem:$0x3FD9]  }
0x89: {  	s3 =	sld [smem:$0x3FFE];
	_ =	sdelay $0x1  }
0x8a: {  	s1 =	srdreg.scid  }
0x8b: {  	s0 =	sand.u32 $0x1, s1  }
0x8c: {  	s17 =	sshll.u32 s0, $0xA;
	s2 =	sadd.s32 s3, s2  }
0x8d: {  	s2 =	sadd.s32 s2, s17  }
0x8e: {  	[smem:$0x3FC2] =	sst s2  }
0x8f: {  	_ = 	snop  }
0x90: {  	s2 =	sld [smem:$0x3FD0];
	(tm) =	ssettm $0x1  }
0x91: {  	s18 =	sld [smem:$0x3FFB];
	_ =	sdelay $0x3  }
0x92: {  	_ =	strace s18  }
0x93: {  	s3 =	sld [smem:$0x3FFC];
	_ =	sdelay $0x3  }
0x94: {  	_ =	strace s3  }
0x95: {  	s3 =	sld [smem:$0x3FFD];
	_ =	sdelay $0x3  }
0x96: {  	_ =	strace s3  }
0x97: {  	_ =	strace $0x8FFFFFFF  }
0x98: {  	s19 =	sld [smem:$0x3FDB];
	_ =	sdelay $0x1  }
0x99: {  	s4 =	simm.s32 $_scs_section_size  }
0x9a: {  	s5 =	simm.s32 $_size__tile_overlayer_lowered;
	s6 =	simm.s32 $_tile_overlayer_lowered  }
0x9b: {  	s22 =	simm.s32 $0x1BFF;
	s21 =	sshll.u32 s6, $0x1;
	s3 =	sadd.s32 s4, s19  }
0x9c: {  	s7 =	simm.s32 $0x0;
	s20 =	sshll.u32 s5, $0x1;
	s5 =	sadd.s32 s21, s3  }
0x9d: {  	[timem:s7], [sflag:s22] =	dma.local [hbm:s5], s20  }
0x9e: {  	_ =	swait.ge [sflag:s22], s20  }
0x9f: {  	s4 =	ssub.s32 $0x0, s20;
	[sflag:s22] =	ssyncset.done $0x0  }
0xa0: {  	[sflag:s22] =	ssyncadd.s32 s4;
	_ =	sdelay $0x1  }
0xa1: {  	s23 =	simm.s32 $0x1B8B  }
0xa2: {  	_ =	swait.ge [sflag:s23], $0x1  }
0xa3: {  	[sflag:s23] =	ssyncset.done $0x0  }
0xa4: {  	s25 =	simm.s32 $0x1B8E;
	s24 =	sld [smem:$0x3FFE];
	[sflag:s23] =	ssyncadd.s32 $0xFFFFFFFF  }
0xa5: {  	s26 =	simm.s32 $execute0_lowered;
	[smem:$0x3FD2] =	sst s25  }
0xa6: {  	s5 =	sshll.u32 s26, $0x1;
	_ =	strace $0x80000046;
	[dreg:$0x1] =	wrdreg $0xFFFFFFFF  }
0xa7: {  	s28 =	simm.s32 $_size_execute0_lowered;
	s3 =	sadd.s32 s3, s5;
	[dreg:$0x0] =	wrdreg $0x0  }
0xa8: {  	s5 =	sshll.u32 s28, $0x1;
	[dreg:$0x2] =	wrdreg s3  }
0xa9: {  	[dreg:$0x3] =	wrdreg s5  }
0xaa: {  	[dreg:$0x4] =	wrdreg $0xC0  }
0xab: {  	_ =	task [dreg:s7], $0x5FFFF  }
0xac: {  	[dreg:$0x1] =	wrdreg $0xFFFFFFFF  }
0xad: {  	[dreg:$0x0] =	wrdreg $0x60  }
0xae: {  	[dreg:$0x2] =	wrdreg s24  }
0xaf: {  	[dreg:$0x3] =	wrdreg s2  }
0xb0: {  	[dreg:$0x4] =	wrdreg $0x9  }
0xb1: {  	_ =	task.clear_ibuf [dreg:s7], $0x5FFFF;
	_ =	strace $0x90000046  }
0xb2: {  	s29 =	simm.s32 $0x9;
	_ =	strace $0x80000048  }
0xb3: {  	_ =	swait.ge [sflag:s29], $0x1  }
0xb4: {  	[sflag:s29] =	ssyncadd.s32 $0xFFFFFFFF  }
0xb5: {  	_ =	strace $0x90000048  }
0xb6: {  	_ =	sfence  }
0xb7: {  	s30 =	sld [smem:$0x0];
	_ =	sdelay $0x2  }
0xb8: {  	s31 =	sshll.u32 s1, $0xD;
	s1 =	sshrl.u32 s1, $0x2  }
0xb9: {  	s3 =	sand.u32 $0x4000, s31;
	s1 =	sadd.s32 s1, s30  }
0xba: {  	s0 =	sor.u32 s3, s0;
	s1 =	sshll.u32 s1, $0x11  }
0xbb: {  	s0 =	sor.u32 s1, s0  }
0xbc: {  	s0 =	sadd.s32 $0x8F2B, s0  }
0xbd: {  	[sflag:s0] =	ssyncadd.remote.s32 $0x1  }
0xbe: {  	_ =	sfence.sel $0xFFFF  }
0xbf: {  	[dreg:$0x0] =	wrdreg $0xFFFFFFFF;
	(pc) =	sbr.abs _section_cstart, $3  }
0xc0: {  	[dreg:$0x1] =	wrdreg $0xFFFFFFFF  }
0xc1: {  	_ =	task.clear_ibuf [dreg:s7], $0x2FFFF;
	_ =	strace $0x9FFFFFFF  }
0xc2: {  	(tm) =	ssettm $0x7FFFFFFF  }
0xc3: {  	_ =	shalt  }
tec
execute0_lowered:
.L_overlay_start_1:
0x0: {  	(tag) =	ssettag $0x1  }
0x1: {  	s1 =	srdreg.scid  }
0x2: {  	s1 =	sand.u32 $0x1, s1  }
0x3: {  	p0 =	seq.s32 s1, $0x1  }
.Ltmp0:
0x4: {  	_ = 	snop;
	(pc) =	sbr.rel @p0 .LBB2_2-.Ltmp0, $4  }
0x5: {  	s3 =	rddreg [dreg:$0x0]  }
0x6: {  	s4 =	rddreg [dreg:$0x1];
	s2 =	simm.s32 $0x0  }
0x7: {  	[smem:$0x7FF] =	sst s2  }
0x8: {  	s0 =	rddreg [dreg:$0x2];
	_ =	strace $0x80000047;
	s1 =	stileid.u32  }
0x9: {  	s5 =	sadd.s32 $0x1400, s3;
	s6 =	sshll.u32 s1, $0x4  }
0xa: {  	s22 =	simm.s32 $0x1;
	s5 =	sadd.s32 s5, s6  }
0xb: {  	[tilespmem:s2], [sflag:$0x1] =	stream.linear.gather [hbm4b:s5+s2], $0x80, $0x38;
	[tilespmem:$0x180] =	vst v63  }
0xc: {  	_ =	swait.ge [sflag:s22], $0x80  }
0xd: {  	[sflag:s22] =	ssyncset.done $0x0  }
0xe: {  	[sflag:s22] =	ssyncadd.s32 $0xFFFFFF80  }
0xf: {  	v0 =	vld [tilespmem:$0x0]  }
0x10: {  	v1 =	vld [tilespmem:$0x10]  }
0x11: {  	v3 =	vld [tilespmem:$0x20]  }
0x12: {  	s7 =	sshll.u32 s1, $0x7;
	v2 =	vlaneseq.u32;
	v5 =	vld [tilespmem:$0x30]  }
0x13: {  	s8 =	sor.u32 $0x10, s7;
	v4 =	vor.u32 s7, v2  }
0x14: {  	s23 =	sor.u32 $0x20, s7;
	v6 =	vor.u32 s8, v2;
	(xrf1) =	vsort.dscd.msk.f32 $0xffff, v0, v4  }
0x15: {  	s24 =	sor.u32 $0x30, s7;
	v27 =	vor.u32 s23, v2;
	(xrf1) =	vsort.dscd.msk.f32 $0xffff, v1, v6  }
0x16: {  	v28 =	vor.u32 s24, v2;
	(xrf1) =	vsort.dscd.msk.f32 $0xffff, v3, v27  }
0x17: {  	(xrf1) =	vsort.dscd.msk.f32 $0xffff, v5, v28  }
0x18: {  	v29 =	vld [tilespmem:$0x40]  }
0x19: {  	v30 =	vld [tilespmem:$0x50];
	_ =	sdelay $0x1  }
0x1a: {  	s25 =	sor.u32 $0x40, s7;
	v31 =	vld [tilespmem:$0x60]  }
0x1b: {  	s26 =	sor.u32 $0x50, s7;
	v32 =	vor.u32 s25, v2;
	v33 =	vld [tilespmem:$0x70]  }
0x1c: {  	v34 =	vor.u32 s26, v2;
	(xrf1) =	vsort.dscd.msk.f32 $0xffff, v29, v32  }
0x1d: {  	s28 =	sor.u32 $0x60, s7;
	(xrf1) =	vsort.dscd.msk.f32 $0xffff, v30, v34  }
0x1e: {  	s7 =	sor.u32 $0x70, s7;
	v35 =	vor.u32 s28, v2  }
0x1f: {  	v36 =	vor.u32 s7, v2;
	(xrf1) =	vsort.dscd.msk.f32 $0xffff, v31, v35  }
0x20: {  	v37 =	vmul.u32 $0xFFFFFFFF, v2;
	(xrf1) =	vsort.dscd.msk.f32 $0xffff, v33, v36  }
0x21: {  	v38, v39, _ =	vpop (xrf1)  }
0x22: {  	v0 =	vadd.s32 $0xF, v37;
	v41, v40, _ =	vpop (xrf1)  }
0x23: {  	v3 =	vperm.xlane v41, v0;
	v43, v42, _ =	vpop (xrf1)  }
0x24: {  	v4 =	vperm.xlane v40, v0;
	v7, v8, _ =	vpop (xrf1)  }
0x25: {  	vm0 =	vge.f32 v38, v3;
	v7 =	vperm.xlane v7, v0  }
0x26: {  	v44 =	vperm.xlane v8, v0;
	v9 =	vsel vm0, v38, v3;
	v10 =	vsel vm0, v39, v4  }
0x27: {  	v1 =	vsel vm0, v3, v38;
	v2 =	vsel vm0, v4, v39;
	(xrf1) =	vsort.dscd.msk.f32 $0xffff, v9, v10  }
0x28: {  	vm11 =	vge.f32 v43, v7;
	(xrf1) =	vsort.dscd.msk.f32 $0xffff, v1, v2  }
0x29: {  	v45 =	vsel vm11, v43, v7;
	v46 =	vsel vm11, v42, v44;
	v5 =	vsel vm11, v7, v43  }
0x2a: {  	v48, v47, _ =	vpop (xrf1);
	v3 =	vsel vm11, v44, v42;
	(xrf1) =	vsort.dscd.msk.f32 $0xffff, v45, v46  }
0x2b: {  	v1, v2, _ =	vpop (xrf1);
	(xrf1) =	vsort.dscd.msk.f32 $0xffff, v5, v3  }
0x2c: {  	v1 =	vperm.xlane v1, v0  }
0x2d: {  	v3, v5, _ =	vpop (xrf1)  }
0x2e: {  	v2 =	vperm.xlane v2, v0;
	v50, v49, _ =	vpop (xrf1);
	vm12 =	vge.f32 v48, v1  }
0x2f: {  	v51 =	vsel vm12, v48, v1;
	v6 =	vperm.xlane v50, v0  }
0x30: {  	v52 =	vsel vm12, v47, v2;
	v1 =	vsel vm12, v1, v48;
	v53 =	vperm.xlane v49, v0  }
0x31: {  	v2 =	vsel vm12, v2, v47;
	(xrf1) =	vsort.dscd.msk.f32 $0xffff, v51, v52;
	vm13 =	vge.f32 v3, v6  }
0x32: {  	(xrf1) =	vsort.dscd.msk.f32 $0xffff, v1, v2;
	v54 =	vsel vm13, v3, v6;
	v55 =	vsel vm13, v5, v53  }
0x33: {  	v3 =	vsel vm13, v6, v3;
	v4 =	vsel vm13, v53, v5;
	(xrf1) =	vsort.dscd.msk.f32 $0xffff, v54, v55  }
0x34: {  	(xrf1) =	vsort.dscd.msk.f32 $0xffff, v3, v4;
	_ =	sdelay $0x1  }
0x35: {  	v1, v2, _ =	vpop (xrf1)  }
0x36: {  	v3, v4, _ =	vpop (xrf1)  }
0x37: {  	v57, v56, _ =	vpop (xrf1)  }
0x38: {  	v58, v59, _ =	vpop (xrf1);
	v5 =	vperm.xlane v57, v0  }
0x39: {  	v7 =	vperm.xlane v58, v0  }
0x3a: {  	v6 =	vperm.xlane v56, v0;
	vm1 =	vge.f32 v3, v5  }
0x3b: {  	v8 =	vperm.xlane v59, v0;
	vm14 =	vge.f32 v1, v7;
	v62 =	vsel vm1, v3, v5  }
0x3c: {  	v63 =	vsel vm1, v4, v6;
	v3 =	vsel vm1, v5, v3;
	v4 =	vsel vm1, v6, v4  }
0x3d: {  	v60 =	vsel vm14, v1, v7;
	v61 =	vsel vm14, v2, v8;
	v1 =	vsel vm14, v7, v1  }
0x3e: {  	v2 =	vsel vm14, v8, v2;
	v11, v12, _ =	vpop (xrf1);
	vm15 =	vge.f32 v60, v62;
	vm4 =	vge.f32 v1, v3  }
0x3f: {  	v13, v14, _ =	vpop (xrf1);
	v20 =	vsel vm15, v60, v62;
	v16 =	vsel vm15, v61, v63;
	v7 =	vsel vm15, v62, v60  }
0x40: {  	v8 =	vsel vm15, v63, v61;
	v23 =	vsel vm4, v1, v3;
	v24 =	vsel vm4, v2, v4;
	v21, v15, _ =	vpop (xrf1)  }
0x41: {  	v1 =	vsel vm4, v3, v1;
	v2 =	vsel vm4, v4, v2;
	(xrf1) =	vsort.dscd.msk.f32 $0xffff, v20, v16;
	v22, v17, _ =	vpop (xrf1)  }
0x42: {  	(xrf1) =	vsort.dscd.msk.f32 $0xffff, v7, v8;
	v26 =	vperm.xlane v21, v0;
	v25 =	vperm.xlane v22, v0  }
0x43: {  	(xrf1) =	vsort.dscd.msk.f32 $0xffff, v23, v24;
	v28 =	vperm.xlane v15, v0;
	v27 =	vperm.xlane v17, v0  }
0x44: {  	(xrf1) =	vsort.dscd.msk.f32 $0xffff, v1, v2;
	vm6 =	vge.f32 v13, v26;
	vm5 =	vge.f32 v11, v25  }
0x45: {  	v32 =	vsel vm6, v13, v26;
	v33 =	vsel vm6, v14, v28;
	v3 =	vsel vm6, v26, v13  }
0x46: {  	v1 =	vsel vm6, v28, v14;
	v29 =	vsel vm5, v11, v25;
	v30 =	vsel vm5, v12, v27  }
0x47: {  	v31 =	vsel vm5, v25, v11;
	v4 =	vsel vm5, v27, v12;
	vm7 =	vge.f32 v29, v32  }
0x48: {  	vm8 =	vge.f32 v31, v3;
	v34 =	vsel vm7, v29, v32;
	v35 =	vsel vm7, v30, v33  }
0x49: {  	v2 =	vsel vm7, v32, v29;
	v5 =	vsel vm7, v33, v30;
	(xrf1) =	vsort.dscd.msk.f32 $0xffff, v34, v35  }
0x4a: {  	v36 =	vsel vm8, v31, v3;
	v37 =	vsel vm8, v4, v1;
	(xrf1) =	vsort.dscd.msk.f32 $0xffff, v2, v5  }
0x4b: {  	v38 =	vsel vm8, v3, v31;
	v1 =	vsel vm8, v1, v4;
	(xrf1) =	vsort.dscd.msk.f32 $0xffff, v36, v37  }
0x4c: {  	(xrf1) =	vsort.dscd.msk.f32 $0xffff, v38, v1;
	_ =	sdelay $0x6  }
0x4d: {  	v1, v2, _ =	vpop (xrf1)  }
0x4e: {  	v39, v40, _ =	vpop (xrf1)  }
0x4f: {  	v41, v42, _ =	vpop (xrf1)  }
0x50: {  	v7, v8, _ =	vpop (xrf1)  }
0x51: {  	v9, v10, _ =	vpop (xrf1)  }
0x52: {  	v43, v44, _ =	vpop (xrf1);
	v9 =	vperm.xlane v9, v0  }
0x53: {  	v45, v46, _ =	vpop (xrf1);
	v11 =	vperm.xlane v43, v0;
	v12 =	vperm.xlane v44, v0  }
0x54: {  	v48, v47, _ =	vpop (xrf1);
	v13 =	vperm.xlane v45, v0;
	v14 =	vperm.xlane v46, v0;
	vm12 =	vge.f32 v7, v9  }
0x55: {  	v15 =	vperm.xlane v48, v0;
	v16 =	vperm.xlane v47, v0;
	vm11 =	vge.f32 v41, v11  }
0x56: {  	v0 =	vperm.xlane v10, v0;
	v7 =	vsel vm12, v7, v9;
	vm10 =	vge.f32 v39, v13  }
0x57: {  	v5 =	vsel vm11, v41, v11;
	v6 =	vsel vm11, v42, v12;
	vm9 =	vge.f32 v1, v15  }
0x58: {  	v3 =	vsel vm10, v39, v13;
	v4 =	vsel vm10, v40, v14;
	v1 =	vsel vm9, v1, v15  }
0x59: {  	v0 =	vsel vm12, v8, v0;
	vm2 =	vge.f32 v3, v7;
	vm13 =	vge.f32 v1, v5  }
0x5a: {  	v2 =	vsel vm9, v2, v16;
	v9 =	vsel vm2, v3, v7;
	v49 =	vsel vm13, v1, v5  }
0x5b: {  	v51 =	vsel vm2, v4, v0;
	v50 =	vsel vm13, v2, v6;
	vm14 =	vge.f32 v49, v9  }
0x5c: {  	v52 =	vsel vm14, v49, v9;
	v53 =	vsel vm14, v50, v51  }
0x5d: {  	v3 =	vsel vm2, v7, v3;
	v0 =	vsel vm2, v0, v4;
	(xrf1) =	vsort.dscd.msk.f32 $0xffff, v52, v53  }
0x5e: {  	v1 =	vsel vm13, v5, v1;
	v54 =	vsel vm14, v9, v49;
	v55 =	vsel vm14, v51, v50  }
0x5f: {  	v2 =	vsel vm13, v6, v2;
	vm15 =	vge.f32 v1, v3;
	(xrf1) =	vsort.dscd.msk.f32 $0xffff, v54, v55  }
0x60: {  	v56 =	vsel vm15, v1, v3;
	v57 =	vsel vm15, v2, v0  }
0x61: {  	(xrf1) =	vsort.dscd.msk.f32 $0xffff, v56, v57  }
0x62: {  	v1 =	vsel vm15, v3, v1;
	v0 =	vsel vm15, v0, v2  }
0x63: {  	(xrf1) =	vsort.dscd.msk.f32 $0xffff, v1, v0;
	_ =	sdelay $0x7  }
0x64: {  	v0, v1, _ =	vpop (xrf1)  }
0x65: {  	[tilespmem:$0x80] =	vst v0  }
0x66: {  	v59, v58, _ =	vpop (xrf1);
	[tilespmem:$0x100] =	vst v1  }
0x67: {  	[tilespmem:$0x90] =	vst v59  }
0x68: {  	v61, v60, _ =	vpop (xrf1);
	[tilespmem:$0x110] =	vst v58  }
0x69: {  	[tilespmem:$0xA0] =	vst v61  }
0x6a: {  	v63, v62, _ =	vpop (xrf1);
	[tilespmem:$0x120] =	vst v60  }
0x6b: {  	[tilespmem:$0xB0] =	vst v63  }
0x6c: {  	s29 =	simm.s32 $0x80;
	s4 =	sadd.s32 s4, s6;
	[tilespmem:$0x130] =	vst v62  }
0x6d: {  	[hbm4b:s4+s2] =	stream.linear.scatter [tilespmem:s29], [sflag:$0x1], $0x80, $0x38;
	[tilespmem:$0x180] =	vst v63  }
0x6e: {  	_ =	swait.ge [sflag:s22], $0x80  }
0x6f: {  	s30 =	sadd.s32 $0x1600, s3;
	[sflag:s22] =	ssyncset.done $0x0  }
0x70: {  	s31 =	simm.s32 $0x100;
	s3 =	sadd.s32 s30, s6;
	[sflag:s22] =	ssyncadd.s32 $0xFFFFFF80  }
0x71: {  	[hbm4b:s3+s2] =	stream.linear.scatter [tilespmem:s31], [sflag:$0x1], $0x80, $0x38;
	[tilespmem:$0x180] =	vst v63  }
0x72: {  	_ =	swait.ge [sflag:s22], $0x80  }
0x73: {  	[sflag:s22] =	ssyncset.done $0x0  }
0x74: {  	[sflag:s22] =	ssyncadd.s32 $0xFFFFFF80  }
.LBB2_2:
0x75: {  	_ =	sfence.sel $0x180000  }
0x76: {  	[bflag:$0x0] =	sbarrier.arrive $0xFFFF  }
0x77: {  	p0 =	sne.s32 s1, $0x0;
	_ =	strace $0x90000047  }
0x78: {  	s0 =	sadd.s32 @!p0 $0x100000, s0;
	[bflag:$0x2] =	sbarrier.arrive $0xFFFF  }
0x79: {  	[sflag:s0] =	ssyncadd.tile.s32 @!p0 $0x1;
	_ =	shalt  }
.Lfunc_end2:
_tile_overlayer_lowered:
.L_overlay_start_2:
0x7a: {  	(tag) =	ssettag $0x2  }
0x7b: {  	s0 =	rddreg [dreg:$0x0];
	s2 =	stileid.u32  }
0x7c: {  	s1 =	rddreg [dreg:$0x1];
	p0 =	sne.s32 s2, $0x0  }
0x7d: {  	s3 =	rddreg [dreg:$0x2];
	[bflag:$0x3] =	sbarrier.arrive $0xFFFF;
	s2 =	simm.s32 @!p0 $0x1C01  }
0x7e: {  	[timem:s3], [sflag:s2] =	dma.local @!p0 [hbm:s0], s1  }
0x7f: {  	s0 =	simm.s32 @!p0 $0x1  }
0x80: {  	_ =	swait.ge @!p0 [sflag:s0], s1  }
0x81: {  	s1 =	ssub.s32 @!p0 $0x0, s1;
	[sflag:s0] =	ssyncset.done @!p0 $0x0  }
0x82: {  	[sflag:s0] =	ssyncadd.s32 @!p0 s1  }
0x83: {  	[bflag:$0x3] =	sbarrier.arrive $0xFFFF  }
0x84: {  	_ =	shalt  }

</sc_bundles>
